<compile_context>
chip_gen: v7x
topology: tpu7x:2x2x1
jax: 0.10.2.dev20260603
libtpu: 0.0.44.dev20260713+nightly
codegen_flags: <defaults>
</compile_context>

<pallas_src>
import jax
import jax.numpy as jnp
from jax import lax
from jax.experimental import pallas as pl
from jax.experimental.pallas import tpu as pltpu, tpu_sc as plsc

RHO = 70.0
T, N = 1025, 20000
NPOS = 65536
SPAIRS = 100
TM1 = T - 1
NW = 32
PP = NPOS // NW
RT = TM1 // NW
SS = RT * SPAIRS
L = 16


def _sigmoid(z):
    return 1.0 / (1.0 + jnp.exp(-z))


def _body(x_hbm, th_hbm, tp_hbm, up_hbm, vp_hbm, us_hbm, vs_hbm,
          kpos_hbm, kneg_hbm,
          th_v, tp_v, up_v, vp_v, iu_v, iv_v, gu_v, gv_v,
          su_v, sv_v, siu_v, siv_v, sgu_v, sgv_v, op_v, on_v, sem):
    wid = lax.axis_index("s") * 2 + lax.axis_index("c")

    pltpu.sync_copy(th_hbm, th_v)
    eps = _sigmoid(th_v[...]) * 0.5

    base = wid * PP
    pltpu.sync_copy(tp_hbm.at[pl.ds(base, PP)], tp_v)
    pltpu.sync_copy(up_hbm.at[pl.ds(base, PP)], up_v)
    pltpu.sync_copy(vp_hbm.at[pl.ds(base, PP)], vp_v)
    pltpu.sync_copy(us_hbm.at[wid], su_v)
    pltpu.sync_copy(vs_hbm.at[wid], sv_v)

    def pos_idx(k, c):
        s0 = pl.ds(2 * k * L, L)
        s1 = pl.ds((2 * k + 1) * L, L)
        r0 = tp_v[s0] * N
        r1 = tp_v[s1] * N
        iu_v[s0] = r0 + up_v[s0]
        iv_v[s0] = r0 + vp_v[s0]
        iu_v[s1] = r1 + up_v[s1]
        iv_v[s1] = r1 + vp_v[s1]
        return c
    lax.fori_loop(0, PP // L // 2, pos_idx, 0)

    iota = lax.iota(jnp.int32, L)
    t0 = (wid * RT + iota) * N
    t1 = (wid * RT + L + iota) * N

    def samp_idx(j2, c):
        b = j2 * 4 * L
        s0 = pl.ds(b, L)
        s1 = pl.ds(b + L, L)
        s2 = pl.ds(b + 2 * L, L)
        s3 = pl.ds(b + 3 * L, L)
        siu_v[s0] = su_v[s0] + t0
        siu_v[s1] = su_v[s1] + t1
        siv_v[s0] = sv_v[s0] + t0
        siv_v[s1] = sv_v[s1] + t1
        siu_v[s2] = su_v[s2] + t0
        siu_v[s3] = su_v[s3] + t1
        siv_v[s2] = sv_v[s2] + t0
        siv_v[s3] = sv_v[s3] + t1
        return c
    lax.fori_loop(0, SPAIRS // 2, samp_idx, 0)

    cu = pltpu.async_copy(x_hbm.at[iu_v], gu_v, sem)
    cv = pltpu.async_copy(x_hbm.at[iv_v], gv_v, sem)
    gsu = pltpu.async_copy(x_hbm.at[siu_v], sgu_v, sem)
    gsv = pltpu.async_copy(x_hbm.at[siv_v], sgv_v, sem)

    cu.wait()
    cv.wait()

    def pos_kap(k, c):
        s0 = pl.ds(2 * k * L, L)
        s1 = pl.ds((2 * k + 1) * L, L)
        d0 = gu_v[s0] - gv_v[s0]
        d1 = gu_v[s1] - gv_v[s1]
        op_v[s0] = _sigmoid(RHO * (eps - jnp.abs(d0)))
        op_v[s1] = _sigmoid(RHO * (eps - jnp.abs(d1)))
        return c
    lax.fori_loop(0, PP // L // 2, pos_kap, 0)
    pltpu.sync_copy(op_v, kpos_hbm.at[pl.ds(base, PP)])

    gsu.wait()
    gsv.wait()

    def samp_kap(j2, acc):
        a0, a1 = acc
        b = j2 * 4 * L
        s0 = pl.ds(b, L)
        s1 = pl.ds(b + L, L)
        s2 = pl.ds(b + 2 * L, L)
        s3 = pl.ds(b + 3 * L, L)
        d0 = sgu_v[s0] - sgv_v[s0]
        d1 = sgu_v[s1] - sgv_v[s1]
        d2 = sgu_v[s2] - sgv_v[s2]
        d3 = sgu_v[s3] - sgv_v[s3]
        a0 = a0 + _sigmoid(RHO * (eps - jnp.abs(d0)))
        a1 = a1 + _sigmoid(RHO * (eps - jnp.abs(d1)))
        a0 = a0 + _sigmoid(RHO * (eps - jnp.abs(d2)))
        a1 = a1 + _sigmoid(RHO * (eps - jnp.abs(d3)))
        return (a0, a1)
    zero = jnp.zeros((L,), jnp.float32)
    a0, a1 = lax.fori_loop(0, SPAIRS // 2, samp_kap, (zero, zero))

    on_v[pl.ds(0, L)] = 1.0 - a0 * (1.0 / SPAIRS)
    on_v[pl.ds(L, L)] = 1.0 - a1 * (1.0 / SPAIRS)
    pltpu.sync_copy(on_v, kneg_hbm.at[pl.ds(wid * RT, RT)])


def kernel(X, theta, u_pos, v_pos, t_pos, u_sample, v_sample):
    x_flat = X.reshape(-1)
    th16 = jnp.broadcast_to(theta.astype(jnp.float32), (L,))
    us_p = u_sample.reshape(NW, RT, SPAIRS).transpose(0, 2, 1).reshape(NW, SS)
    vs_p = v_sample.reshape(NW, RT, SPAIRS).transpose(0, 2, 1).reshape(NW, SS)

    mesh = plsc.VectorSubcoreMesh(core_axis_name="c", subcore_axis_name="s")
    run = pl.kernel(
        _body,
        out_type=(
            jax.ShapeDtypeStruct((NPOS,), jnp.float32),
            jax.ShapeDtypeStruct((TM1,), jnp.float32),
        ),
        mesh=mesh,
        compiler_params=pltpu.CompilerParams(
            use_tc_tiling_on_sc=False, needs_layout_passes=False),
        scratch_types=[
            pltpu.VMEM((L,), jnp.float32),
            pltpu.VMEM((PP,), jnp.int32),
            pltpu.VMEM((PP,), jnp.int32),
            pltpu.VMEM((PP,), jnp.int32),
            pltpu.VMEM((PP,), jnp.int32),
            pltpu.VMEM((PP,), jnp.int32),
            pltpu.VMEM((PP,), jnp.float32),
            pltpu.VMEM((PP,), jnp.float32),
            pltpu.VMEM((SS,), jnp.int32),
            pltpu.VMEM((SS,), jnp.int32),
            pltpu.VMEM((SS,), jnp.int32),
            pltpu.VMEM((SS,), jnp.int32),
            pltpu.VMEM((SS,), jnp.float32),
            pltpu.VMEM((SS,), jnp.float32),
            pltpu.VMEM((PP,), jnp.float32),
            pltpu.VMEM((RT,), jnp.float32),
            pltpu.SemaphoreType.DMA,
        ],
    )
    kappa_pos, kappa_neg = run(x_flat, th16, t_pos, u_pos, v_pos, us_p, vs_p)
    return kappa_pos, kappa_neg

# --- scband reference (transcript-rebuilt; emitter-appended) ---
"""Pipeline reference for scband-bc-observe-positive-estimation-56358560858219 (READ-ONLY COPY).

The authoritative reference and input builder live on the scoring server;
editing this copy changes nothing except your own understanding.
"""

import jax, jax.numpy as jnp
import numpy as np

RHO = 70.0

def kappa_from_epsilon(epsilon, diff_x, rho):
    # Smooth bounded-confidence interaction kernel: probability of a positive
    # interaction as a function of opinion distance |diff_x| and threshold epsilon.
    return jax.nn.sigmoid(rho * (epsilon - jnp.abs(diff_x)))


def setup_inputs(seed: int = 0) -> dict:
    key = jax.random.key(seed)
    T, N = 1025, 20000
    sample_pairs = 100
    n_pos = (T - 1) * 64
    ks = jax.random.split(key, 6)
    # Opinion matrix X[T, N] in [0, 1]
    X = jax.random.uniform(ks[0], (T, N), dtype=jnp.float32)
    # Positive interaction edges (u, v, t) extracted from the edge tensor
    # (equivalent of sod.convert_edges_uvst + s==1 filter in __init__)
    u_pos = jax.random.randint(ks[1], (n_pos,), 0, N)
    v_pos = jax.random.randint(ks[2], (n_pos,), 0, N)
    t_pos = jnp.sort(jax.random.randint(ks[3], (n_pos,), 0, T - 1))
    # Random negative-sample pairs per timestep (torch forward draws these with
    # numpy argpartition each call; here they are materialized deterministically).
    u_sample = jax.random.randint(ks[4], (T - 1, sample_pairs), 0, N)
    v_sample = jax.random.randint(ks[5], (T - 1, sample_pairs), 0, N)
    # theta = logit(2 * epsilon0) with epsilon0 = 0.1
    theta = jnp.array([np.log(0.2 / 0.8)], dtype=jnp.float32)
    return {"X": X, "theta": theta, "u_pos": u_pos, "v_pos": v_pos,
            "t_pos": t_pos, "u_sample": u_sample, "v_sample": v_sample}


def reference(X, theta, u_pos, v_pos, t_pos, u_sample, v_sample):
    epsilon = jax.nn.sigmoid(theta) / 2.0
    # diff over observed positive interactions: X[t, u] - X[t, v]
    diff_X = X[t_pos, u_pos] - X[t_pos, v_pos]
    kappa_pos = kappa_from_epsilon(epsilon, diff_X, RHO)
    # diff over sampled pairs: torch.gather(X, 1, u_sample.T) uses rows 0..T-2
    Xm = X[:-1]
    diff_sample_X = (jnp.take_along_axis(Xm, u_sample, axis=1)
                     - jnp.take_along_axis(Xm, v_sample, axis=1))
    kappa_neg = 1.0 - kappa_from_epsilon(epsilon, diff_sample_X, RHO).mean(axis=1)
    return (kappa_pos, kappa_neg)

if __name__ == "__main__":
    import jax
    _d = setup_inputs()
    print(jax.jit(kernel)(*tuple(_d.values())))

</pallas_src>

<mosaic_0001>
#map = affine_map<(d0, d1) -> (0)>
#map1 = affine_map<(d0, d1) -> (0, 0)>
module attributes {stable_mosaic.version = 14 : i64} {
  func.func @_body(%arg0: i32, %arg1: i32, %arg2: memref<20500000xf32, #tpu.memory_space<hbm>>, %arg3: memref<16xf32, #tpu.memory_space<hbm>>, %arg4: memref<65536xi32, #tpu.memory_space<hbm>>, %arg5: memref<65536xi32, #tpu.memory_space<hbm>>, %arg6: memref<65536xi32, #tpu.memory_space<hbm>>, %arg7: memref<32x3200xi32, #tpu.memory_space<hbm>>, %arg8: memref<32x3200xi32, #tpu.memory_space<hbm>>, %arg9: memref<65536xf32, #tpu.memory_space<hbm>>, %arg10: memref<1024xf32, #tpu.memory_space<hbm>>, %arg11: memref<16xf32, #tpu.memory_space<vmem>>, %arg12: memref<2048xi32, #tpu.memory_space<vmem>>, %arg13: memref<2048xi32, #tpu.memory_space<vmem>>, %arg14: memref<2048xi32, #tpu.memory_space<vmem>>, %arg15: memref<2048xi32, #tpu.memory_space<vmem>>, %arg16: memref<2048xi32, #tpu.memory_space<vmem>>, %arg17: memref<2048xf32, #tpu.memory_space<vmem>>, %arg18: memref<2048xf32, #tpu.memory_space<vmem>>, %arg19: memref<3200xi32, #tpu.memory_space<vmem>>, %arg20: memref<3200xi32, #tpu.memory_space<vmem>>, %arg21: memref<3200xi32, #tpu.memory_space<vmem>>, %arg22: memref<3200xi32, #tpu.memory_space<vmem>>, %arg23: memref<3200xf32, #tpu.memory_space<vmem>>, %arg24: memref<3200xf32, #tpu.memory_space<vmem>>, %arg25: memref<2048xf32, #tpu.memory_space<vmem>>, %arg26: memref<32xf32, #tpu.memory_space<vmem>>, %arg27: memref<!tpu.dma_semaphore, #tpu.memory_space<semaphore_mem>>) attributes {dimension_semantics = [#tpu.dimension_semantics<core_parallel>, #tpu.dimension_semantics<subcore_parallel>], iteration_bounds = array<i64: 2, 16>, scalar_prefetch = 0 : i64, scratch_operands = 17 : i64, tpu.core_type = #tpu.core_type<sc_vector_subcore>, window_params = [{transform_indices = #map}, {transform_indices = #map}, {transform_indices = #map}, {transform_indices = #map}, {transform_indices = #map}, {transform_indices = #map1}, {transform_indices = #map1}, {transform_indices = #map}, {transform_indices = #map}]} {
    %mul3A = arith.constant 2 : i32
    %mul3A_0 = arith.muli %arg1, %mul3A : i32
    %add3A = arith.addi %mul3A_0, %arg0 : i32
    "tpu.region"() ({
      %run_scoped3A = tpu.sem_alloc : memref<!tpu.dma_semaphore, #tpu.memory_space<semaphore_mem>>
      tpu.enqueue_dma source(%arg3 : memref<16xf32, #tpu.memory_space<hbm>>) target(%arg11 : memref<16xf32, #tpu.memory_space<vmem>>) target_semaphore(%run_scoped3A : memref<!tpu.dma_semaphore, #tpu.memory_space<semaphore_mem>>)
      tpu.wait_dma2 semaphore(%run_scoped3A : memref<!tpu.dma_semaphore, #tpu.memory_space<semaphore_mem>>) src(%arg3 : memref<16xf32, #tpu.memory_space<hbm>>) dst(%arg11 : memref<16xf32, #tpu.memory_space<vmem>>)
      tpu.yield
    }) : () -> ()
    %get3A = arith.constant 0 : index
    %get3A_1 = tpu.vector_load %arg11[%get3A] {strides = array<i32>} : memref<16xf32, #tpu.memory_space<vmem>>, vector<16xf32>,
    %neg3A = arith.constant 0.000000e+00 : f32
    %neg3A_2 = vector.broadcast %neg3A : f32 to vector<16xf32>
    %neg3A_3 = arith.subf %neg3A_2, %get3A_1 : vector<16xf32>
    %exp3A = math.exp %neg3A_3 : vector<16xf32>
    %add3A_4 = arith.constant 1.000000e+00 : f32
    %add3A_5 = vector.broadcast %add3A_4 : f32 to vector<16xf32>
    %add3A_6 = arith.addf %add3A_5, %exp3A : vector<16xf32>
    %div3A = arith.constant 1.000000e+00 : f32
    %div3A_7 = vector.broadcast %div3A : f32 to vector<16xf32>
    %div3A_8 = arith.divf %div3A_7, %add3A_6 : vector<16xf32>
    %mul3A_9 = arith.constant 5.000000e-01 : f32
    %mul3A_10 = vector.broadcast %mul3A_9 : f32 to vector<16xf32>
    %mul3A_11 = arith.mulf %div3A_8, %mul3A_10 : vector<16xf32>
    %mul3A_12 = arith.constant 2048 : i32
    %mul3A_13 = arith.muli %add3A, %mul3A_12 : i32
    "tpu.region"() ({
      %run_scoped3A = tpu.sem_alloc : memref<!tpu.dma_semaphore, #tpu.memory_space<semaphore_mem>>
      %dma_start3A_84 = tpu.memref_slice %arg4[%mul3A_13] : memref<65536xi32, #tpu.memory_space<hbm>> -> memref<2048xi32, #tpu.memory_space<hbm>>
      %dma_start3A_85 = tpu.memref_slice %arg4[%mul3A_13] : memref<65536xi32, #tpu.memory_space<hbm>> -> memref<2048xi32, #tpu.memory_space<hbm>>
      tpu.enqueue_dma source(%dma_start3A_85 : memref<2048xi32, #tpu.memory_space<hbm>>) target(%arg12 : memref<2048xi32, #tpu.memory_space<vmem>>) target_semaphore(%run_scoped3A : memref<!tpu.dma_semaphore, #tpu.memory_space<semaphore_mem>>)
      %dma_wait3A_86 = tpu.memref_slice %arg4[%mul3A_13] : memref<65536xi32, #tpu.memory_space<hbm>> -> memref<2048xi32, #tpu.memory_space<hbm>>
      %dma_wait3A_87 = tpu.memref_slice %arg4[%mul3A_13] : memref<65536xi32, #tpu.memory_space<hbm>> -> memref<2048xi32, #tpu.memory_space<hbm>>
      tpu.wait_dma2 semaphore(%run_scoped3A : memref<!tpu.dma_semaphore, #tpu.memory_space<semaphore_mem>>) src(%dma_wait3A_87 : memref<2048xi32, #tpu.memory_space<hbm>>) dst(%arg12 : memref<2048xi32, #tpu.memory_space<vmem>>)
      tpu.yield
    }) : () -> ()
    "tpu.region"() ({
      %run_scoped3A = tpu.sem_alloc : memref<!tpu.dma_semaphore, #tpu.memory_space<semaphore_mem>>
      %dma_start3A_84 = tpu.memref_slice %arg5[%mul3A_13] : memref<65536xi32, #tpu.memory_space<hbm>> -> memref<2048xi32, #tpu.memory_space<hbm>>
      %dma_start3A_85 = tpu.memref_slice %arg5[%mul3A_13] : memref<65536xi32, #tpu.memory_space<hbm>> -> memref<2048xi32, #tpu.memory_space<hbm>>
      tpu.enqueue_dma source(%dma_start3A_85 : memref<2048xi32, #tpu.memory_space<hbm>>) target(%arg13 : memref<2048xi32, #tpu.memory_space<vmem>>) target_semaphore(%run_scoped3A : memref<!tpu.dma_semaphore, #tpu.memory_space<semaphore_mem>>)
      %dma_wait3A_86 = tpu.memref_slice %arg5[%mul3A_13] : memref<65536xi32, #tpu.memory_space<hbm>> -> memref<2048xi32, #tpu.memory_space<hbm>>
      %dma_wait3A_87 = tpu.memref_slice %arg5[%mul3A_13] : memref<65536xi32, #tpu.memory_space<hbm>> -> memref<2048xi32, #tpu.memory_space<hbm>>
      tpu.wait_dma2 semaphore(%run_scoped3A : memref<!tpu.dma_semaphore, #tpu.memory_space<semaphore_mem>>) src(%dma_wait3A_87 : memref<2048xi32, #tpu.memory_space<hbm>>) dst(%arg13 : memref<2048xi32, #tpu.memory_space<vmem>>)
      tpu.yield
    }) : () -> ()
    "tpu.region"() ({
      %run_scoped3A = tpu.sem_alloc : memref<!tpu.dma_semaphore, #tpu.memory_space<semaphore_mem>>
      %dma_start3A_84 = tpu.memref_slice %arg6[%mul3A_13] : memref<65536xi32, #tpu.memory_space<hbm>> -> memref<2048xi32, #tpu.memory_space<hbm>>
      %dma_start3A_85 = tpu.memref_slice %arg6[%mul3A_13] : memref<65536xi32, #tpu.memory_space<hbm>> -> memref<2048xi32, #tpu.memory_space<hbm>>
      tpu.enqueue_dma source(%dma_start3A_85 : memref<2048xi32, #tpu.memory_space<hbm>>) target(%arg14 : memref<2048xi32, #tpu.memory_space<vmem>>) target_semaphore(%run_scoped3A : memref<!tpu.dma_semaphore, #tpu.memory_space<semaphore_mem>>)
      %dma_wait3A_86 = tpu.memref_slice %arg6[%mul3A_13] : memref<65536xi32, #tpu.memory_space<hbm>> -> memref<2048xi32, #tpu.memory_space<hbm>>
      %dma_wait3A_87 = tpu.memref_slice %arg6[%mul3A_13] : memref<65536xi32, #tpu.memory_space<hbm>> -> memref<2048xi32, #tpu.memory_space<hbm>>
      tpu.wait_dma2 semaphore(%run_scoped3A : memref<!tpu.dma_semaphore, #tpu.memory_space<semaphore_mem>>) src(%dma_wait3A_87 : memref<2048xi32, #tpu.memory_space<hbm>>) dst(%arg14 : memref<2048xi32, #tpu.memory_space<vmem>>)
      tpu.yield
    }) : () -> ()
    "tpu.region"() ({
      %run_scoped3A = tpu.sem_alloc : memref<!tpu.dma_semaphore, #tpu.memory_space<semaphore_mem>>
      %dma_start3A_84 = arith.constant 0 : i32
      %dma_start3A_85 = tpu.memref_slice %arg7[%add3A, %dma_start3A_84] : memref<32x3200xi32, #tpu.memory_space<hbm>> -> memref<1x3200xi32, #tpu.memory_space<hbm>>
      %dma_start3A_86 = tpu.memref_squeeze %dma_start3A_85 : memref<1x3200xi32, #tpu.memory_space<hbm>> -> memref<3200xi32, #tpu.memory_space<hbm>>
      %dma_start3A_87 = arith.constant 0 : i32
      %dma_start3A_88 = tpu.memref_slice %arg7[%add3A, %dma_start3A_87] : memref<32x3200xi32, #tpu.memory_space<hbm>> -> memref<1x3200xi32, #tpu.memory_space<hbm>>
      %dma_start3A_89 = tpu.memref_squeeze %dma_start3A_88 : memref<1x3200xi32, #tpu.memory_space<hbm>> -> memref<3200xi32, #tpu.memory_space<hbm>>
      tpu.enqueue_dma source(%dma_start3A_89 : memref<3200xi32, #tpu.memory_space<hbm>>) target(%arg19 : memref<3200xi32, #tpu.memory_space<vmem>>) target_semaphore(%run_scoped3A : memref<!tpu.dma_semaphore, #tpu.memory_space<semaphore_mem>>)
      %dma_wait3A_90 = arith.constant 0 : i32
      %dma_wait3A_91 = tpu.memref_slice %arg7[%add3A, %dma_wait3A_90] : memref<32x3200xi32, #tpu.memory_space<hbm>> -> memref<1x3200xi32, #tpu.memory_space<hbm>>
      %dma_wait3A_92 = tpu.memref_squeeze %dma_wait3A_91 : memref<1x3200xi32, #tpu.memory_space<hbm>> -> memref<3200xi32, #tpu.memory_space<hbm>>
      %dma_wait3A_93 = arith.constant 0 : i32
      %dma_wait3A_94 = tpu.memref_slice %arg7[%add3A, %dma_wait3A_93] : memref<32x3200xi32, #tpu.memory_space<hbm>> -> memref<1x3200xi32, #tpu.memory_space<hbm>>
      %dma_wait3A_95 = tpu.memref_squeeze %dma_wait3A_94 : memref<1x3200xi32, #tpu.memory_space<hbm>> -> memref<3200xi32, #tpu.memory_space<hbm>>
      tpu.wait_dma2 semaphore(%run_scoped3A : memref<!tpu.dma_semaphore, #tpu.memory_space<semaphore_mem>>) src(%dma_wait3A_95 : memref<3200xi32, #tpu.memory_space<hbm>>) dst(%arg19 : memref<3200xi32, #tpu.memory_space<vmem>>)
      tpu.yield
    }) : () -> ()
    "tpu.region"() ({
      %run_scoped3A = tpu.sem_alloc : memref<!tpu.dma_semaphore, #tpu.memory_space<semaphore_mem>>
      %dma_start3A_84 = arith.constant 0 : i32
      %dma_start3A_85 = tpu.memref_slice %arg8[%add3A, %dma_start3A_84] : memref<32x3200xi32, #tpu.memory_space<hbm>> -> memref<1x3200xi32, #tpu.memory_space<hbm>>
      %dma_start3A_86 = tpu.memref_squeeze %dma_start3A_85 : memref<1x3200xi32, #tpu.memory_space<hbm>> -> memref<3200xi32, #tpu.memory_space<hbm>>
      %dma_start3A_87 = arith.constant 0 : i32
      %dma_start3A_88 = tpu.memref_slice %arg8[%add3A, %dma_start3A_87] : memref<32x3200xi32, #tpu.memory_space<hbm>> -> memref<1x3200xi32, #tpu.memory_space<hbm>>
      %dma_start3A_89 = tpu.memref_squeeze %dma_start3A_88 : memref<1x3200xi32, #tpu.memory_space<hbm>> -> memref<3200xi32, #tpu.memory_space<hbm>>
      tpu.enqueue_dma source(%dma_start3A_89 : memref<3200xi32, #tpu.memory_space<hbm>>) target(%arg20 : memref<3200xi32, #tpu.memory_space<vmem>>) target_semaphore(%run_scoped3A : memref<!tpu.dma_semaphore, #tpu.memory_space<semaphore_mem>>)
      %dma_wait3A_90 = arith.constant 0 : i32
      %dma_wait3A_91 = tpu.memref_slice %arg8[%add3A, %dma_wait3A_90] : memref<32x3200xi32, #tpu.memory_space<hbm>> -> memref<1x3200xi32, #tpu.memory_space<hbm>>
      %dma_wait3A_92 = tpu.memref_squeeze %dma_wait3A_91 : memref<1x3200xi32, #tpu.memory_space<hbm>> -> memref<3200xi32, #tpu.memory_space<hbm>>
      %dma_wait3A_93 = arith.constant 0 : i32
      %dma_wait3A_94 = tpu.memref_slice %arg8[%add3A, %dma_wait3A_93] : memref<32x3200xi32, #tpu.memory_space<hbm>> -> memref<1x3200xi32, #tpu.memory_space<hbm>>
      %dma_wait3A_95 = tpu.memref_squeeze %dma_wait3A_94 : memref<1x3200xi32, #tpu.memory_space<hbm>> -> memref<3200xi32, #tpu.memory_space<hbm>>
      tpu.wait_dma2 semaphore(%run_scoped3A : memref<!tpu.dma_semaphore, #tpu.memory_space<semaphore_mem>>) src(%dma_wait3A_95 : memref<3200xi32, #tpu.memory_space<hbm>>) dst(%arg20 : memref<3200xi32, #tpu.memory_space<vmem>>)
      tpu.yield
    }) : () -> ()
    %scan3A = arith.constant 0 : i32
    %scan3A_14 = arith.constant 0 : i32
    %scan3A_15 = arith.constant 64 : i32
    %scan3A_16 = arith.addi %scan3A_14, %scan3A_15 : i32
    %scan3A_17 = arith.constant 1 : i32
    scf.for %scan3A_84 = %scan3A_14 to %scan3A_16 step %scan3A_17  : i32 {
      %mul3A_85 = arith.constant 2 : i32
      %mul3A_86 = arith.muli %mul3A_85, %scan3A_84 : i32
      %mul3A_87 = arith.constant 16 : i32
      %mul3A_88 = arith.muli %mul3A_86, %mul3A_87 : i32
      %mul3A_89 = arith.constant 2 : i32
      %mul3A_90 = arith.muli %mul3A_89, %scan3A_84 : i32
      %add3A_91 = arith.constant 1 : i32
      %add3A_92 = arith.addi %mul3A_90, %add3A_91 : i32
      %mul3A_93 = arith.constant 16 : i32
      %mul3A_94 = arith.muli %add3A_92, %mul3A_93 : i32
      %get3A_95 = arith.index_cast %mul3A_88 : i32 to index
      %get3A_96 = tpu.vector_load %arg12[%get3A_95] {strides = array<i32>} : memref<2048xi32, #tpu.memory_space<vmem>>, vector<16xi32>,
      %mul3A_97 = arith.constant 20000 : i32
      %mul3A_98 = vector.broadcast %mul3A_97 : i32 to vector<16xi32>
      %mul3A_99 = arith.muli %get3A_96, %mul3A_98 : vector<16xi32>
      %get3A_100 = arith.index_cast %mul3A_94 : i32 to index
      %get3A_101 = tpu.vector_load %arg12[%get3A_100] {strides = array<i32>} : memref<2048xi32, #tpu.memory_space<vmem>>, vector<16xi32>,
      %mul3A_102 = arith.constant 20000 : i32
      %mul3A_103 = vector.broadcast %mul3A_102 : i32 to vector<16xi32>
      %mul3A_104 = arith.muli %get3A_101, %mul3A_103 : vector<16xi32>
      %get3A_105 = arith.index_cast %mul3A_88 : i32 to index
      %get3A_106 = tpu.vector_load %arg13[%get3A_105] {strides = array<i32>} : memref<2048xi32, #tpu.memory_space<vmem>>, vector<16xi32>,
      %add3A_107 = arith.addi %mul3A_99, %get3A_106 : vector<16xi32>
      %swap3A_108 = arith.index_cast %mul3A_88 : i32 to index
      %swap3A_109 = tpu.vector_load %arg15[%swap3A_108] {strides = array<i32>} : memref<2048xi32, #tpu.memory_space<vmem>>, vector<16xi32>,
      tpu.vector_store %arg15[%swap3A_108], %add3A_107 {strides = array<i32>} : memref<2048xi32, #tpu.memory_space<vmem>>, vector<16xi32>,
      %get3A_110 = arith.index_cast %mul3A_88 : i32 to index
      %get3A_111 = tpu.vector_load %arg14[%get3A_110] {strides = array<i32>} : memref<2048xi32, #tpu.memory_space<vmem>>, vector<16xi32>,
      %add3A_112 = arith.addi %mul3A_99, %get3A_111 : vector<16xi32>
      %swap3A_113 = arith.index_cast %mul3A_88 : i32 to index
      %swap3A_114 = tpu.vector_load %arg16[%swap3A_113] {strides = array<i32>} : memref<2048xi32, #tpu.memory_space<vmem>>, vector<16xi32>,
      tpu.vector_store %arg16[%swap3A_113], %add3A_112 {strides = array<i32>} : memref<2048xi32, #tpu.memory_space<vmem>>, vector<16xi32>,
      %get3A_115 = arith.index_cast %mul3A_94 : i32 to index
      %get3A_116 = tpu.vector_load %arg13[%get3A_115] {strides = array<i32>} : memref<2048xi32, #tpu.memory_space<vmem>>, vector<16xi32>,
      %add3A_117 = arith.addi %mul3A_104, %get3A_116 : vector<16xi32>
      %swap3A_118 = arith.index_cast %mul3A_94 : i32 to index
      %swap3A_119 = tpu.vector_load %arg15[%swap3A_118] {strides = array<i32>} : memref<2048xi32, #tpu.memory_space<vmem>>, vector<16xi32>,
      tpu.vector_store %arg15[%swap3A_118], %add3A_117 {strides = array<i32>} : memref<2048xi32, #tpu.memory_space<vmem>>, vector<16xi32>,
      %get3A_120 = arith.index_cast %mul3A_94 : i32 to index
      %get3A_121 = tpu.vector_load %arg14[%get3A_120] {strides = array<i32>} : memref<2048xi32, #tpu.memory_space<vmem>>, vector<16xi32>,
      %add3A_122 = arith.addi %mul3A_104, %get3A_121 : vector<16xi32>
      %swap3A_123 = arith.index_cast %mul3A_94 : i32 to index
      %swap3A_124 = tpu.vector_load %arg16[%swap3A_123] {strides = array<i32>} : memref<2048xi32, #tpu.memory_space<vmem>>, vector<16xi32>,
      tpu.vector_store %arg16[%swap3A_123], %add3A_122 {strides = array<i32>} : memref<2048xi32, #tpu.memory_space<vmem>>, vector<16xi32>,
    }
    %scan3A_18 = arith.constant 64 : i32
    %iota3A = tpu.iota {dimensions = array<i32: 0>} : vector<16xi32>
    %mul3A_19 = arith.constant 32 : i32
    %mul3A_20 = arith.muli %add3A, %mul3A_19 : i32
    %add3A_21 = vector.broadcast %mul3A_20 : i32 to vector<16xi32>
    %add3A_22 = arith.addi %add3A_21, %iota3A : vector<16xi32>
    %mul3A_23 = arith.constant 20000 : i32
    %mul3A_24 = vector.broadcast %mul3A_23 : i32 to vector<16xi32>
    %mul3A_25 = arith.muli %add3A_22, %mul3A_24 : vector<16xi32>
    %mul3A_26 = arith.constant 32 : i32
    %mul3A_27 = arith.muli %add3A, %mul3A_26 : i32
    %add3A_28 = arith.constant 16 : i32
    %add3A_29 = arith.addi %mul3A_27, %add3A_28 : i32
    %add3A_30 = vector.broadcast %add3A_29 : i32 to vector<16xi32>
    %add3A_31 = arith.addi %add3A_30, %iota3A : vector<16xi32>
    %mul3A_32 = arith.constant 20000 : i32
    %mul3A_33 = vector.broadcast %mul3A_32 : i32 to vector<16xi32>
    %mul3A_34 = arith.muli %add3A_31, %mul3A_33 : vector<16xi32>
    %scan3A_35 = arith.constant 0 : i32
    %scan3A_36 = arith.constant 0 : i32
    %scan3A_37 = arith.constant 50 : i32
    %scan3A_38 = arith.addi %scan3A_36, %scan3A_37 : i32
    %scan3A_39 = arith.constant 1 : i32
    scf.for %scan3A_84 = %scan3A_36 to %scan3A_38 step %scan3A_39  : i32 {
      %mul3A_85 = arith.constant 4 : i32
      %mul3A_86 = arith.muli %scan3A_84, %mul3A_85 : i32
      %mul3A_87 = arith.constant 16 : i32
      %mul3A_88 = arith.muli %mul3A_86, %mul3A_87 : i32
      %add3A_89 = arith.constant 16 : i32
      %add3A_90 = arith.addi %mul3A_88, %add3A_89 : i32
      %add3A_91 = arith.constant 32 : i32
      %add3A_92 = arith.addi %mul3A_88, %add3A_91 : i32
      %add3A_93 = arith.constant 48 : i32
      %add3A_94 = arith.addi %mul3A_88, %add3A_93 : i32
      %get3A_95 = arith.index_cast %mul3A_88 : i32 to index
      %get3A_96 = tpu.vector_load %arg19[%get3A_95] {strides = array<i32>} : memref<3200xi32, #tpu.memory_space<vmem>>, vector<16xi32>,
      %add3A_97 = arith.addi %get3A_96, %mul3A_25 : vector<16xi32>
      %swap3A_98 = arith.index_cast %mul3A_88 : i32 to index
      %swap3A_99 = tpu.vector_load %arg21[%swap3A_98] {strides = array<i32>} : memref<3200xi32, #tpu.memory_space<vmem>>, vector<16xi32>,
      tpu.vector_store %arg21[%swap3A_98], %add3A_97 {strides = array<i32>} : memref<3200xi32, #tpu.memory_space<vmem>>, vector<16xi32>,
      %get3A_100 = arith.index_cast %add3A_90 : i32 to index
      %get3A_101 = tpu.vector_load %arg19[%get3A_100] {strides = array<i32>} : memref<3200xi32, #tpu.memory_space<vmem>>, vector<16xi32>,
      %add3A_102 = arith.addi %get3A_101, %mul3A_34 : vector<16xi32>
      %swap3A_103 = arith.index_cast %add3A_90 : i32 to index
      %swap3A_104 = tpu.vector_load %arg21[%swap3A_103] {strides = array<i32>} : memref<3200xi32, #tpu.memory_space<vmem>>, vector<16xi32>,
      tpu.vector_store %arg21[%swap3A_103], %add3A_102 {strides = array<i32>} : memref<3200xi32, #tpu.memory_space<vmem>>, vector<16xi32>,
      %get3A_105 = arith.index_cast %mul3A_88 : i32 to index
      %get3A_106 = tpu.vector_load %arg20[%get3A_105] {strides = array<i32>} : memref<3200xi32, #tpu.memory_space<vmem>>, vector<16xi32>,
      %add3A_107 = arith.addi %get3A_106, %mul3A_25 : vector<16xi32>
      %swap3A_108 = arith.index_cast %mul3A_88 : i32 to index
      %swap3A_109 = tpu.vector_load %arg22[%swap3A_108] {strides = array<i32>} : memref<3200xi32, #tpu.memory_space<vmem>>, vector<16xi32>,
      tpu.vector_store %arg22[%swap3A_108], %add3A_107 {strides = array<i32>} : memref<3200xi32, #tpu.memory_space<vmem>>, vector<16xi32>,
      %get3A_110 = arith.index_cast %add3A_90 : i32 to index
      %get3A_111 = tpu.vector_load %arg20[%get3A_110] {strides = array<i32>} : memref<3200xi32, #tpu.memory_space<vmem>>, vector<16xi32>,
      %add3A_112 = arith.addi %get3A_111, %mul3A_34 : vector<16xi32>
      %swap3A_113 = arith.index_cast %add3A_90 : i32 to index
      %swap3A_114 = tpu.vector_load %arg22[%swap3A_113] {strides = array<i32>} : memref<3200xi32, #tpu.memory_space<vmem>>, vector<16xi32>,
      tpu.vector_store %arg22[%swap3A_113], %add3A_112 {strides = array<i32>} : memref<3200xi32, #tpu.memory_space<vmem>>, vector<16xi32>,
      %get3A_115 = arith.index_cast %add3A_92 : i32 to index
      %get3A_116 = tpu.vector_load %arg19[%get3A_115] {strides = array<i32>} : memref<3200xi32, #tpu.memory_space<vmem>>, vector<16xi32>,
      %add3A_117 = arith.addi %get3A_116, %mul3A_25 : vector<16xi32>
      %swap3A_118 = arith.index_cast %add3A_92 : i32 to index
      %swap3A_119 = tpu.vector_load %arg21[%swap3A_118] {strides = array<i32>} : memref<3200xi32, #tpu.memory_space<vmem>>, vector<16xi32>,
      tpu.vector_store %arg21[%swap3A_118], %add3A_117 {strides = array<i32>} : memref<3200xi32, #tpu.memory_space<vmem>>, vector<16xi32>,
      %get3A_120 = arith.index_cast %add3A_94 : i32 to index
      %get3A_121 = tpu.vector_load %arg19[%get3A_120] {strides = array<i32>} : memref<3200xi32, #tpu.memory_space<vmem>>, vector<16xi32>,
      %add3A_122 = arith.addi %get3A_121, %mul3A_34 : vector<16xi32>
      %swap3A_123 = arith.index_cast %add3A_94 : i32 to index
      %swap3A_124 = tpu.vector_load %arg21[%swap3A_123] {strides = array<i32>} : memref<3200xi32, #tpu.memory_space<vmem>>, vector<16xi32>,
      tpu.vector_store %arg21[%swap3A_123], %add3A_122 {strides = array<i32>} : memref<3200xi32, #tpu.memory_space<vmem>>, vector<16xi32>,
      %get3A_125 = arith.index_cast %add3A_92 : i32 to index
      %get3A_126 = tpu.vector_load %arg20[%get3A_125] {strides = array<i32>} : memref<3200xi32, #tpu.memory_space<vmem>>, vector<16xi32>,
      %add3A_127 = arith.addi %get3A_126, %mul3A_25 : vector<16xi32>
      %swap3A_128 = arith.index_cast %add3A_92 : i32 to index
      %swap3A_129 = tpu.vector_load %arg22[%swap3A_128] {strides = array<i32>} : memref<3200xi32, #tpu.memory_space<vmem>>, vector<16xi32>,
      tpu.vector_store %arg22[%swap3A_128], %add3A_127 {strides = array<i32>} : memref<3200xi32, #tpu.memory_space<vmem>>, vector<16xi32>,
      %get3A_130 = arith.index_cast %add3A_94 : i32 to index
      %get3A_131 = tpu.vector_load %arg20[%get3A_130] {strides = array<i32>} : memref<3200xi32, #tpu.memory_space<vmem>>, vector<16xi32>,
      %add3A_132 = arith.addi %get3A_131, %mul3A_34 : vector<16xi32>
      %swap3A_133 = arith.index_cast %add3A_94 : i32 to index
      %swap3A_134 = tpu.vector_load %arg22[%swap3A_133] {strides = array<i32>} : memref<3200xi32, #tpu.memory_space<vmem>>, vector<16xi32>,
      tpu.vector_store %arg22[%swap3A_133], %add3A_132 {strides = array<i32>} : memref<3200xi32, #tpu.memory_space<vmem>>, vector<16xi32>,
    }
    %scan3A_40 = arith.constant 50 : i32
    %dma_start3A = arith.constant 0 : i32
    %dma_start3A_41 = tpu.memref_slice %arg2[%dma_start3A] : memref<20500000xf32, #tpu.memory_space<hbm>> -> memref<20500000xf32, #tpu.memory_space<hbm>>
    tpu.enqueue_indirect_dma source(%dma_start3A_41 : memref<20500000xf32, #tpu.memory_space<hbm>>) target(%arg17 : memref<2048xf32, #tpu.memory_space<vmem>>) offsets(%arg15 : memref<2048xi32, #tpu.memory_space<vmem>>) semaphore(%arg27 : memref<!tpu.dma_semaphore, #tpu.memory_space<semaphore_mem>>)
    %dma_start3A_42 = arith.constant 0 : i32
    %dma_start3A_43 = tpu.memref_slice %arg2[%dma_start3A_42] : memref<20500000xf32, #tpu.memory_space<hbm>> -> memref<20500000xf32, #tpu.memory_space<hbm>>
    tpu.enqueue_indirect_dma source(%dma_start3A_43 : memref<20500000xf32, #tpu.memory_space<hbm>>) target(%arg18 : memref<2048xf32, #tpu.memory_space<vmem>>) offsets(%arg16 : memref<2048xi32, #tpu.memory_space<vmem>>) semaphore(%arg27 : memref<!tpu.dma_semaphore, #tpu.memory_space<semaphore_mem>>)
    %dma_start3A_44 = arith.constant 0 : i32
    %dma_start3A_45 = tpu.memref_slice %arg2[%dma_start3A_44] : memref<20500000xf32, #tpu.memory_space<hbm>> -> memref<20500000xf32, #tpu.memory_space<hbm>>
    tpu.enqueue_indirect_dma source(%dma_start3A_45 : memref<20500000xf32, #tpu.memory_space<hbm>>) target(%arg23 : memref<3200xf32, #tpu.memory_space<vmem>>) offsets(%arg21 : memref<3200xi32, #tpu.memory_space<vmem>>) semaphore(%arg27 : memref<!tpu.dma_semaphore, #tpu.memory_space<semaphore_mem>>)
    %dma_start3A_46 = arith.constant 0 : i32
    %dma_start3A_47 = tpu.memref_slice %arg2[%dma_start3A_46] : memref<20500000xf32, #tpu.memory_space<hbm>> -> memref<20500000xf32, #tpu.memory_space<hbm>>
    tpu.enqueue_indirect_dma source(%dma_start3A_47 : memref<20500000xf32, #tpu.memory_space<hbm>>) target(%arg24 : memref<3200xf32, #tpu.memory_space<vmem>>) offsets(%arg22 : memref<3200xi32, #tpu.memory_space<vmem>>) semaphore(%arg27 : memref<!tpu.dma_semaphore, #tpu.memory_space<semaphore_mem>>)
    %dma_wait3A = arith.constant 0 : i32
    %dma_wait3A_48 = tpu.memref_slice %arg2[%dma_wait3A] : memref<20500000xf32, #tpu.memory_space<hbm>> -> memref<20500000xf32, #tpu.memory_space<hbm>>
    tpu.wait_indirect_dma semaphore(%arg27 : memref<!tpu.dma_semaphore, #tpu.memory_space<semaphore_mem>>) src(%dma_wait3A_48 : memref<20500000xf32, #tpu.memory_space<hbm>>) dst(%arg17 : memref<2048xf32, #tpu.memory_space<vmem>>)
    %dma_wait3A_49 = arith.constant 0 : i32
    %dma_wait3A_50 = tpu.memref_slice %arg2[%dma_wait3A_49] : memref<20500000xf32, #tpu.memory_space<hbm>> -> memref<20500000xf32, #tpu.memory_space<hbm>>
    tpu.wait_indirect_dma semaphore(%arg27 : memref<!tpu.dma_semaphore, #tpu.memory_space<semaphore_mem>>) src(%dma_wait3A_50 : memref<20500000xf32, #tpu.memory_space<hbm>>) dst(%arg18 : memref<2048xf32, #tpu.memory_space<vmem>>)
    %scan3A_51 = arith.constant 0 : i32
    %scan3A_52 = arith.constant 0 : i32
    %scan3A_53 = arith.constant 64 : i32
    %scan3A_54 = arith.addi %scan3A_52, %scan3A_53 : i32
    %scan3A_55 = arith.constant 1 : i32
    scf.for %scan3A_84 = %scan3A_52 to %scan3A_54 step %scan3A_55  : i32 {
      %mul3A_85 = arith.constant 2 : i32
      %mul3A_86 = arith.muli %mul3A_85, %scan3A_84 : i32
      %mul3A_87 = arith.constant 16 : i32
      %mul3A_88 = arith.muli %mul3A_86, %mul3A_87 : i32
      %mul3A_89 = arith.constant 2 : i32
      %mul3A_90 = arith.muli %mul3A_89, %scan3A_84 : i32
      %add3A_91 = arith.constant 1 : i32
      %add3A_92 = arith.addi %mul3A_90, %add3A_91 : i32
      %mul3A_93 = arith.constant 16 : i32
      %mul3A_94 = arith.muli %add3A_92, %mul3A_93 : i32
      %get3A_95 = arith.index_cast %mul3A_88 : i32 to index
      %get3A_96 = tpu.vector_load %arg17[%get3A_95] {strides = array<i32>} : memref<2048xf32, #tpu.memory_space<vmem>>, vector<16xf32>,
      %get3A_97 = arith.index_cast %mul3A_88 : i32 to index
      %get3A_98 = tpu.vector_load %arg18[%get3A_97] {strides = array<i32>} : memref<2048xf32, #tpu.memory_space<vmem>>, vector<16xf32>,
      %sub3A_99 = arith.subf %get3A_96, %get3A_98 : vector<16xf32>
      %get3A_100 = arith.index_cast %mul3A_94 : i32 to index
      %get3A_101 = tpu.vector_load %arg17[%get3A_100] {strides = array<i32>} : memref<2048xf32, #tpu.memory_space<vmem>>, vector<16xf32>,
      %get3A_102 = arith.index_cast %mul3A_94 : i32 to index
      %get3A_103 = tpu.vector_load %arg18[%get3A_102] {strides = array<i32>} : memref<2048xf32, #tpu.memory_space<vmem>>, vector<16xf32>,
      %sub3A_104 = arith.subf %get3A_101, %get3A_103 : vector<16xf32>
      %abs3A = math.absf %sub3A_99 : vector<16xf32>
      %sub3A_105 = arith.subf %mul3A_11, %abs3A : vector<16xf32>
      %mul3A_106 = arith.constant 7.000000e+01 : f32
      %mul3A_107 = vector.broadcast %mul3A_106 : f32 to vector<16xf32>
      %mul3A_108 = arith.mulf %mul3A_107, %sub3A_105 : vector<16xf32>
      %neg3A_109 = arith.constant 0.000000e+00 : f32
      %neg3A_110 = vector.broadcast %neg3A_109 : f32 to vector<16xf32>
      %neg3A_111 = arith.subf %neg3A_110, %mul3A_108 : vector<16xf32>
      %exp3A_112 = math.exp %neg3A_111 : vector<16xf32>
      %add3A_113 = arith.constant 1.000000e+00 : f32
      %add3A_114 = vector.broadcast %add3A_113 : f32 to vector<16xf32>
      %add3A_115 = arith.addf %add3A_114, %exp3A_112 : vector<16xf32>
      %div3A_116 = arith.constant 1.000000e+00 : f32
      %div3A_117 = vector.broadcast %div3A_116 : f32 to vector<16xf32>
      %div3A_118 = arith.divf %div3A_117, %add3A_115 : vector<16xf32>
      %swap3A_119 = arith.index_cast %mul3A_88 : i32 to index
      %swap3A_120 = tpu.vector_load %arg25[%swap3A_119] {strides = array<i32>} : memref<2048xf32, #tpu.memory_space<vmem>>, vector<16xf32>,
      tpu.vector_store %arg25[%swap3A_119], %div3A_118 {strides = array<i32>} : memref<2048xf32, #tpu.memory_space<vmem>>, vector<16xf32>,
      %abs3A_121 = math.absf %sub3A_104 : vector<16xf32>
      %sub3A_122 = arith.subf %mul3A_11, %abs3A_121 : vector<16xf32>
      %mul3A_123 = arith.constant 7.000000e+01 : f32
      %mul3A_124 = vector.broadcast %mul3A_123 : f32 to vector<16xf32>
      %mul3A_125 = arith.mulf %mul3A_124, %sub3A_122 : vector<16xf32>
      %neg3A_126 = arith.constant 0.000000e+00 : f32
      %neg3A_127 = vector.broadcast %neg3A_126 : f32 to vector<16xf32>
      %neg3A_128 = arith.subf %neg3A_127, %mul3A_125 : vector<16xf32>
      %exp3A_129 = math.exp %neg3A_128 : vector<16xf32>
      %add3A_130 = arith.constant 1.000000e+00 : f32
      %add3A_131 = vector.broadcast %add3A_130 : f32 to vector<16xf32>
      %add3A_132 = arith.addf %add3A_131, %exp3A_129 : vector<16xf32>
      %div3A_133 = arith.constant 1.000000e+00 : f32
      %div3A_134 = vector.broadcast %div3A_133 : f32 to vector<16xf32>
      %div3A_135 = arith.divf %div3A_134, %add3A_132 : vector<16xf32>
      %swap3A_136 = arith.index_cast %mul3A_94 : i32 to index
      %swap3A_137 = tpu.vector_load %arg25[%swap3A_136] {strides = array<i32>} : memref<2048xf32, #tpu.memory_space<vmem>>, vector<16xf32>,
      tpu.vector_store %arg25[%swap3A_136], %div3A_135 {strides = array<i32>} : memref<2048xf32, #tpu.memory_space<vmem>>, vector<16xf32>,
    }
    %scan3A_56 = arith.constant 64 : i32
    "tpu.region"() ({
      %run_scoped3A = tpu.sem_alloc : memref<!tpu.dma_semaphore, #tpu.memory_space<semaphore_mem>>
      %dma_start3A_84 = tpu.memref_slice %arg9[%mul3A_13] : memref<65536xf32, #tpu.memory_space<hbm>> -> memref<2048xf32, #tpu.memory_space<hbm>>
      %dma_start3A_85 = tpu.memref_slice %arg9[%mul3A_13] : memref<65536xf32, #tpu.memory_space<hbm>> -> memref<2048xf32, #tpu.memory_space<hbm>>
      tpu.enqueue_dma source(%arg25 : memref<2048xf32, #tpu.memory_space<vmem>>) target(%dma_start3A_85 : memref<2048xf32, #tpu.memory_space<hbm>>) target_semaphore(%run_scoped3A : memref<!tpu.dma_semaphore, #tpu.memory_space<semaphore_mem>>)
      %dma_wait3A_86 = tpu.memref_slice %arg9[%mul3A_13] : memref<65536xf32, #tpu.memory_space<hbm>> -> memref<2048xf32, #tpu.memory_space<hbm>>
      %dma_wait3A_87 = tpu.memref_slice %arg9[%mul3A_13] : memref<65536xf32, #tpu.memory_space<hbm>> -> memref<2048xf32, #tpu.memory_space<hbm>>
      tpu.wait_dma2 semaphore(%run_scoped3A : memref<!tpu.dma_semaphore, #tpu.memory_space<semaphore_mem>>) src(%arg25 : memref<2048xf32, #tpu.memory_space<vmem>>) dst(%dma_wait3A_87 : memref<2048xf32, #tpu.memory_space<hbm>>)
      tpu.yield
    }) : () -> ()
    %dma_wait3A_57 = arith.constant 0 : i32
    %dma_wait3A_58 = tpu.memref_slice %arg2[%dma_wait3A_57] : memref<20500000xf32, #tpu.memory_space<hbm>> -> memref<20500000xf32, #tpu.memory_space<hbm>>
    tpu.wait_indirect_dma semaphore(%arg27 : memref<!tpu.dma_semaphore, #tpu.memory_space<semaphore_mem>>) src(%dma_wait3A_58 : memref<20500000xf32, #tpu.memory_space<hbm>>) dst(%arg23 : memref<3200xf32, #tpu.memory_space<vmem>>)
    %dma_wait3A_59 = arith.constant 0 : i32
    %dma_wait3A_60 = tpu.memref_slice %arg2[%dma_wait3A_59] : memref<20500000xf32, #tpu.memory_space<hbm>> -> memref<20500000xf32, #tpu.memory_space<hbm>>
    tpu.wait_indirect_dma semaphore(%arg27 : memref<!tpu.dma_semaphore, #tpu.memory_space<semaphore_mem>>) src(%dma_wait3A_60 : memref<20500000xf32, #tpu.memory_space<hbm>>) dst(%arg24 : memref<3200xf32, #tpu.memory_space<vmem>>)
    %broadcast_in_dim3A = arith.constant 0.000000e+00 : f32
    %broadcast_in_dim3A_61 = vector.broadcast %broadcast_in_dim3A : f32 to vector<16xf32>
    %scan3A_62 = arith.constant 0 : i32
    %scan3A_63 = arith.constant 50 : i32
    %scan3A_64 = arith.addi %scan3A_62, %scan3A_63 : i32
    %scan3A_65 = arith.constant 1 : i32
    %scan3A_66:2 = scf.for %scan3A_84 = %scan3A_62 to %scan3A_64 step %scan3A_65 iter_args(%scan3A_85 = %broadcast_in_dim3A_61, %scan3A_86 = %broadcast_in_dim3A_61) -> (vector<16xf32>, vector<16xf32>)  : i32 {
      %mul3A_87 = arith.constant 4 : i32
      %mul3A_88 = arith.muli %scan3A_84, %mul3A_87 : i32
      %mul3A_89 = arith.constant 16 : i32
      %mul3A_90 = arith.muli %mul3A_88, %mul3A_89 : i32
      %add3A_91 = arith.constant 16 : i32
      %add3A_92 = arith.addi %mul3A_90, %add3A_91 : i32
      %add3A_93 = arith.constant 32 : i32
      %add3A_94 = arith.addi %mul3A_90, %add3A_93 : i32
      %add3A_95 = arith.constant 48 : i32
      %add3A_96 = arith.addi %mul3A_90, %add3A_95 : i32
      %get3A_97 = arith.index_cast %mul3A_90 : i32 to index
      %get3A_98 = tpu.vector_load %arg23[%get3A_97] {strides = array<i32>} : memref<3200xf32, #tpu.memory_space<vmem>>, vector<16xf32>,
      %get3A_99 = arith.index_cast %mul3A_90 : i32 to index
      %get3A_100 = tpu.vector_load %arg24[%get3A_99] {strides = array<i32>} : memref<3200xf32, #tpu.memory_space<vmem>>, vector<16xf32>,
      %sub3A_101 = arith.subf %get3A_98, %get3A_100 : vector<16xf32>
      %get3A_102 = arith.index_cast %add3A_92 : i32 to index
      %get3A_103 = tpu.vector_load %arg23[%get3A_102] {strides = array<i32>} : memref<3200xf32, #tpu.memory_space<vmem>>, vector<16xf32>,
      %get3A_104 = arith.index_cast %add3A_92 : i32 to index
      %get3A_105 = tpu.vector_load %arg24[%get3A_104] {strides = array<i32>} : memref<3200xf32, #tpu.memory_space<vmem>>, vector<16xf32>,
      %sub3A_106 = arith.subf %get3A_103, %get3A_105 : vector<16xf32>
      %get3A_107 = arith.index_cast %add3A_94 : i32 to index
      %get3A_108 = tpu.vector_load %arg23[%get3A_107] {strides = array<i32>} : memref<3200xf32, #tpu.memory_space<vmem>>, vector<16xf32>,
      %get3A_109 = arith.index_cast %add3A_94 : i32 to index
      %get3A_110 = tpu.vector_load %arg24[%get3A_109] {strides = array<i32>} : memref<3200xf32, #tpu.memory_space<vmem>>, vector<16xf32>,
      %sub3A_111 = arith.subf %get3A_108, %get3A_110 : vector<16xf32>
      %get3A_112 = arith.index_cast %add3A_96 : i32 to index
      %get3A_113 = tpu.vector_load %arg23[%get3A_112] {strides = array<i32>} : memref<3200xf32, #tpu.memory_space<vmem>>, vector<16xf32>,
      %get3A_114 = arith.index_cast %add3A_96 : i32 to index
      %get3A_115 = tpu.vector_load %arg24[%get3A_114] {strides = array<i32>} : memref<3200xf32, #tpu.memory_space<vmem>>, vector<16xf32>,
      %sub3A_116 = arith.subf %get3A_113, %get3A_115 : vector<16xf32>
      %abs3A = math.absf %sub3A_101 : vector<16xf32>
      %sub3A_117 = arith.subf %mul3A_11, %abs3A : vector<16xf32>
      %mul3A_118 = arith.constant 7.000000e+01 : f32
      %mul3A_119 = vector.broadcast %mul3A_118 : f32 to vector<16xf32>
      %mul3A_120 = arith.mulf %mul3A_119, %sub3A_117 : vector<16xf32>
      %neg3A_121 = arith.constant 0.000000e+00 : f32
      %neg3A_122 = vector.broadcast %neg3A_121 : f32 to vector<16xf32>
      %neg3A_123 = arith.subf %neg3A_122, %mul3A_120 : vector<16xf32>
      %exp3A_124 = math.exp %neg3A_123 : vector<16xf32>
      %add3A_125 = arith.constant 1.000000e+00 : f32
      %add3A_126 = vector.broadcast %add3A_125 : f32 to vector<16xf32>
      %add3A_127 = arith.addf %add3A_126, %exp3A_124 : vector<16xf32>
      %div3A_128 = arith.constant 1.000000e+00 : f32
      %div3A_129 = vector.broadcast %div3A_128 : f32 to vector<16xf32>
      %div3A_130 = arith.divf %div3A_129, %add3A_127 : vector<16xf32>
      %add3A_131 = arith.addf %scan3A_85, %div3A_130 : vector<16xf32>
      %abs3A_132 = math.absf %sub3A_106 : vector<16xf32>
      %sub3A_133 = arith.subf %mul3A_11, %abs3A_132 : vector<16xf32>
      %mul3A_134 = arith.constant 7.000000e+01 : f32
      %mul3A_135 = vector.broadcast %mul3A_134 : f32 to vector<16xf32>
      %mul3A_136 = arith.mulf %mul3A_135, %sub3A_133 : vector<16xf32>
      %neg3A_137 = arith.constant 0.000000e+00 : f32
      %neg3A_138 = vector.broadcast %neg3A_137 : f32 to vector<16xf32>
      %neg3A_139 = arith.subf %neg3A_138, %mul3A_136 : vector<16xf32>
      %exp3A_140 = math.exp %neg3A_139 : vector<16xf32>
      %add3A_141 = arith.constant 1.000000e+00 : f32
      %add3A_142 = vector.broadcast %add3A_141 : f32 to vector<16xf32>
      %add3A_143 = arith.addf %add3A_142, %exp3A_140 : vector<16xf32>
      %div3A_144 = arith.constant 1.000000e+00 : f32
      %div3A_145 = vector.broadcast %div3A_144 : f32 to vector<16xf32>
      %div3A_146 = arith.divf %div3A_145, %add3A_143 : vector<16xf32>
      %add3A_147 = arith.addf %scan3A_86, %div3A_146 : vector<16xf32>
      %abs3A_148 = math.absf %sub3A_111 : vector<16xf32>
      %sub3A_149 = arith.subf %mul3A_11, %abs3A_148 : vector<16xf32>
      %mul3A_150 = arith.constant 7.000000e+01 : f32
      %mul3A_151 = vector.broadcast %mul3A_150 : f32 to vector<16xf32>
      %mul3A_152 = arith.mulf %mul3A_151, %sub3A_149 : vector<16xf32>
      %neg3A_153 = arith.constant 0.000000e+00 : f32
      %neg3A_154 = vector.broadcast %neg3A_153 : f32 to vector<16xf32>
      %neg3A_155 = arith.subf %neg3A_154, %mul3A_152 : vector<16xf32>
      %exp3A_156 = math.exp %neg3A_155 : vector<16xf32>
      %add3A_157 = arith.constant 1.000000e+00 : f32
      %add3A_158 = vector.broadcast %add3A_157 : f32 to vector<16xf32>
      %add3A_159 = arith.addf %add3A_158, %exp3A_156 : vector<16xf32>
      %div3A_160 = arith.constant 1.000000e+00 : f32
      %div3A_161 = vector.broadcast %div3A_160 : f32 to vector<16xf32>
      %div3A_162 = arith.divf %div3A_161, %add3A_159 : vector<16xf32>
      %add3A_163 = arith.addf %add3A_131, %div3A_162 : vector<16xf32>
      %abs3A_164 = math.absf %sub3A_116 : vector<16xf32>
      %sub3A_165 = arith.subf %mul3A_11, %abs3A_164 : vector<16xf32>
      %mul3A_166 = arith.constant 7.000000e+01 : f32
      %mul3A_167 = vector.broadcast %mul3A_166 : f32 to vector<16xf32>
      %mul3A_168 = arith.mulf %mul3A_167, %sub3A_165 : vector<16xf32>
      %neg3A_169 = arith.constant 0.000000e+00 : f32
      %neg3A_170 = vector.broadcast %neg3A_169 : f32 to vector<16xf32>
      %neg3A_171 = arith.subf %neg3A_170, %mul3A_168 : vector<16xf32>
      %exp3A_172 = math.exp %neg3A_171 : vector<16xf32>
      %add3A_173 = arith.constant 1.000000e+00 : f32
      %add3A_174 = vector.broadcast %add3A_173 : f32 to vector<16xf32>
      %add3A_175 = arith.addf %add3A_174, %exp3A_172 : vector<16xf32>
      %div3A_176 = arith.constant 1.000000e+00 : f32
      %div3A_177 = vector.broadcast %div3A_176 : f32 to vector<16xf32>
      %div3A_178 = arith.divf %div3A_177, %add3A_175 : vector<16xf32>
      %add3A_179 = arith.addf %add3A_147, %div3A_178 : vector<16xf32>
      scf.yield %add3A_163, %add3A_179 : vector<16xf32>, vector<16xf32>
    }
    %scan3A_67 = arith.constant 50 : i32
    %mul3A_68 = arith.constant 0.00999999977 : f32
    %mul3A_69 = vector.broadcast %mul3A_68 : f32 to vector<16xf32>
    %mul3A_70 = arith.mulf %scan3A_66#0, %mul3A_69 : vector<16xf32>
    %sub3A = arith.constant 1.000000e+00 : f32
    %sub3A_71 = vector.broadcast %sub3A : f32 to vector<16xf32>
    %sub3A_72 = arith.subf %sub3A_71, %mul3A_70 : vector<16xf32>
    %swap3A = arith.constant 0 : index
    %swap3A_73 = tpu.vector_load %arg26[%swap3A] {strides = array<i32>} : memref<32xf32, #tpu.memory_space<vmem>>, vector<16xf32>,
    tpu.vector_store %arg26[%swap3A], %sub3A_72 {strides = array<i32>} : memref<32xf32, #tpu.memory_space<vmem>>, vector<16xf32>,
    %mul3A_74 = arith.constant 0.00999999977 : f32
    %mul3A_75 = vector.broadcast %mul3A_74 : f32 to vector<16xf32>
    %mul3A_76 = arith.mulf %scan3A_66#1, %mul3A_75 : vector<16xf32>
    %sub3A_77 = arith.constant 1.000000e+00 : f32
    %sub3A_78 = vector.broadcast %sub3A_77 : f32 to vector<16xf32>
    %sub3A_79 = arith.subf %sub3A_78, %mul3A_76 : vector<16xf32>
    %swap3A_80 = arith.constant 16 : index
    %swap3A_81 = tpu.vector_load %arg26[%swap3A_80] {strides = array<i32>} : memref<32xf32, #tpu.memory_space<vmem>>, vector<16xf32>,
    tpu.vector_store %arg26[%swap3A_80], %sub3A_79 {strides = array<i32>} : memref<32xf32, #tpu.memory_space<vmem>>, vector<16xf32>,
    %mul3A_82 = arith.constant 32 : i32
    %mul3A_83 = arith.muli %add3A, %mul3A_82 : i32
    "tpu.region"() ({
      %run_scoped3A = tpu.sem_alloc : memref<!tpu.dma_semaphore, #tpu.memory_space<semaphore_mem>>
      %dma_start3A_84 = tpu.memref_slice %arg10[%mul3A_83] : memref<1024xf32, #tpu.memory_space<hbm>> -> memref<32xf32, #tpu.memory_space<hbm>>
      %dma_start3A_85 = tpu.memref_slice %arg10[%mul3A_83] : memref<1024xf32, #tpu.memory_space<hbm>> -> memref<32xf32, #tpu.memory_space<hbm>>
      tpu.enqueue_dma source(%arg26 : memref<32xf32, #tpu.memory_space<vmem>>) target(%dma_start3A_85 : memref<32xf32, #tpu.memory_space<hbm>>) target_semaphore(%run_scoped3A : memref<!tpu.dma_semaphore, #tpu.memory_space<semaphore_mem>>)
      %dma_wait3A_86 = tpu.memref_slice %arg10[%mul3A_83] : memref<1024xf32, #tpu.memory_space<hbm>> -> memref<32xf32, #tpu.memory_space<hbm>>
      %dma_wait3A_87 = tpu.memref_slice %arg10[%mul3A_83] : memref<1024xf32, #tpu.memory_space<hbm>> -> memref<32xf32, #tpu.memory_space<hbm>>
      tpu.wait_dma2 semaphore(%run_scoped3A : memref<!tpu.dma_semaphore, #tpu.memory_space<semaphore_mem>>) src(%arg26 : memref<32xf32, #tpu.memory_space<vmem>>) dst(%dma_wait3A_87 : memref<32xf32, #tpu.memory_space<hbm>>)
      tpu.yield
    }) : () -> ()
    return
  }
}

</mosaic_0001>

<sc_bundles>
// kernel: kernel.3.cloned.1.call-start
scs
__scs_entry_jumppad:
0x0: {  	(pc) =	sbr.rel $0x88, $3  }
0x1: {  	(tag) =	ssettag $0x0;
	lr =	simm.s32 $0x1  }
0x2: {  	[smem:$0x3F9A] =	sst lr;
	_ =	strace $0xD0000000  }
0x3: {  	_ = 	snop  }
0x4: {  	_ = 	snop  }
0x5: {  	_ = 	snop  }
0x6: {  	_ = 	snop  }
0x7: {  	_ = 	snop  }
__scs_overlays_trampoline_lowered:
0x8: {  	[smem:$0x3FA9] =	sst s0  }
0x9: {  	[smem:$0x3FAA] =	sst s1  }
0xa: {  	[smem:$0x3FAB] =	sst s2  }
0xb: {  	[smem:$0x3FAC] =	sst s3  }
0xc: {  	[smem:$0x3FAD] =	sst s4  }
0xd: {  	[smem:$0x3FAE] =	sst s5  }
0xe: {  	[smem:$0x3FAF] =	sst s6  }
0xf: {  	[smem:$0x3FB0] =	sst s7  }
0x10: {  	[smem:$0x3FB1] =	sst s8  }
0x11: {  	[smem:$0x3FB2] =	sst s9;
	s0 =	simm.s32 @!p0 $0x0  }
0x12: {  	s1 =	sld [smem:$0x3F98];
	s0 =	simm.s32 @p0 $0x1  }
0x13: {  	[smem:$0x3FB3] =	sst s0;
	s0 =	simm.s32 @!p1 $0x0  }
0x14: {  	s2 =	sld [smem:$0x3F97];
	s0 =	simm.s32 @p1 $0x1  }
0x15: {  	[smem:$0x3FB4] =	sst s0;
	s0 =	simm.s32 @!p2 $0x0  }
0x16: {  	s3 =	sld [smem:$0x3FDB];
	s0 =	simm.s32 @p2 $0x1  }
0x17: {  	s4 =	simm.s32 $0x1BF5;
	[smem:$0x3FB6] =	sst s0  }
0x18: {  	s0 =	sld [smem:$0x3F99];
	_ =	swait.ge [sflag:s4], $0x0  }
0x19: {  	s7 =	sld [smem:$0x3F9A]  }
0x1a: {  	s8 =	sadd.s32 $0xFFFFE003, lr  }
0x1b: {  	s9 =	sadd.s32 $0xFFFFFEF7, lr;
	s5 =	simm.s32 $0xFFFFFFFF;
	p2 =	slt.u32 s8, $0xFFFFF086  }
0x1c: {  	p1 =	slt.u32 s9, $0xF7A;
	s5 =	simm.s32 @!p2 $0x0  }
0x1d: {  	s5 =	simm.s32 @p1 $0x1;
	p0 =	seq.s32 s7, s2  }
0x1e: {  	s7 =	smul.u32 @!p0 $0xF7A, s2;
	p2 =	seq.s32 @!p0 s5, $0x0  }
0x1f: {  	s9 =	smul.u32 $0xF7A, s1;
	s8 =	simm.s32 @!p0 $0x1BF5;
	p2 =	por !p2, p0  }
0x20: {  	[sflag:s8] =	ssyncset.s32 @!p0 $0xFFFFF086;
	s6 =	sadd.s32 @!p0 s3, s7;
	s7 =	simm.s32 @!p0 $0x108  }
0x21: {  	s3 =	sadd.s32 s3, s9;
	s6 =	sadd.s32 @!p0 $0x88, s6;
	s7 =	simm.s32 @p2 $0x1082  }
0x22: {  	[simem:s7], [sflag:s8] =	dma.local @!p0 [hbm:s6], $0xF7A  }
0x23: {  	s9 =	sor.u32 $0xD0000000, s2;
	s6 =	simm.s32 $0x108;
	_ =	swait.ge @!p0 [sflag:s8], $0x0  }
0x24: {  	s3 =	sadd.s32 $0x88, s3;
	s6 =	simm.s32 @!p1 $0x1082;
	[sflag:s4] =	ssyncset.s32 $0xFFFFF086  }
0x25: {  	[simem:s6], [sflag:s4] =	dma.local [hbm:s3], $0xF7A  }
0x26: {  	[smem:$0x3F9A] =	sst s1;
	(tag) =	ssettag s2;
	_ =	strace s9  }
0x27: {  	s1 =	sld [smem:$0x3FAA]  }
0x28: {  	s2 =	sld [smem:$0x3FAB]  }
0x29: {  	s4 =	sld [smem:$0x3FAD]  }
0x2a: {  	p0 =	seq.s32 s5, $0x0;
	s5 =	sld [smem:$0x3FAE]  }
0x2b: {  	s6 =	sld [smem:$0x3FAF]  }
0x2c: {  	s7 =	sld [smem:$0x3FB0]  }
0x2d: {  	s3 =	simm.s32 $0x108;
	s8 =	sld [smem:$0x3FB1]  }
0x2e: {  	s3 =	simm.s32 @!p0 $0x1082;
	s9 =	sld [smem:$0x3FB2]  }
0x2f: {  	lr =	sadd.s32 s0, s3;
	s0 =	sld [smem:$0x3FA9]  }
0x30: {  	s3 =	sld [smem:$0x3FAC]  }
0x31: {  	[smem:$0x3FB5] =	sst s10  }
0x32: {  	s10 =	sld [smem:$0x3FB3];
	_ =	sdelay $0x3  }
0x33: {  	p0 =	seq.s32 s10, $0x1;
	s10 =	sld [smem:$0x3FB5];
	_ =	sdelay $0x3  }
0x34: {  	[smem:$0x3FB5] =	sst s10  }
0x35: {  	s10 =	sld [smem:$0x3FB4];
	_ =	sdelay $0x3  }
0x36: {  	p1 =	seq.s32 s10, $0x1;
	s10 =	sld [smem:$0x3FB5];
	_ =	sdelay $0x3  }
0x37: {  	[smem:$0x3FB5] =	sst s10  }
0x38: {  	s10 =	sld [smem:$0x3FB6]  }
0x39: {  	_ = 	snop;
	(pc) =	sbr.ind lr, $3  }
0x3a: {  	_ = 	snop  }
0x3b: {  	_ = 	snop  }
0x3c: {  	p2 =	seq.s32 s10, $0x1;
	s10 =	sld [smem:$0x3FB5]  }
0x3d: {  	_ =	shalt  }
0x3e: {  	_ =	shalt  }
0x3f: {  	_ =	shalt  }
0x40: {  	_ =	shalt  }
0x41: {  	_ =	shalt  }
0x42: {  	_ =	shalt  }
0x43: {  	_ =	shalt  }
0x44: {  	_ =	shalt  }
0x45: {  	_ =	shalt  }
0x46: {  	_ =	shalt  }
0x47: {  	_ =	shalt  }
0x48: {  	_ =	shalt  }
0x49: {  	_ =	shalt  }
0x4a: {  	_ =	shalt  }
0x4b: {  	_ =	shalt  }
0x4c: {  	_ =	shalt  }
0x4d: {  	_ =	shalt  }
0x4e: {  	_ =	shalt  }
0x4f: {  	_ =	shalt  }
0x50: {  	_ =	shalt  }
0x51: {  	_ =	shalt  }
0x52: {  	_ =	shalt  }
0x53: {  	_ =	shalt  }
0x54: {  	_ =	shalt  }
0x55: {  	_ =	shalt  }
0x56: {  	_ =	shalt  }
0x57: {  	_ =	shalt  }
0x58: {  	_ =	shalt  }
0x59: {  	_ =	shalt  }
0x5a: {  	_ =	shalt  }
0x5b: {  	_ =	shalt  }
0x5c: {  	_ =	shalt  }
0x5d: {  	_ =	shalt  }
0x5e: {  	_ =	shalt  }
0x5f: {  	_ =	shalt  }
0x60: {  	_ =	shalt  }
0x61: {  	_ =	shalt  }
0x62: {  	_ =	shalt  }
0x63: {  	_ =	shalt  }
0x64: {  	_ =	shalt  }
0x65: {  	_ =	shalt  }
0x66: {  	_ =	shalt  }
0x67: {  	_ =	shalt  }
0x68: {  	_ =	shalt  }
0x69: {  	_ =	shalt  }
0x6a: {  	_ =	shalt  }
0x6b: {  	_ =	shalt  }
0x6c: {  	_ =	shalt  }
0x6d: {  	_ =	shalt  }
0x6e: {  	_ =	shalt  }
0x6f: {  	_ =	shalt  }
0x70: {  	_ =	shalt  }
0x71: {  	_ =	shalt  }
0x72: {  	_ =	shalt  }
0x73: {  	_ =	shalt  }
0x74: {  	_ =	shalt  }
0x75: {  	_ =	shalt  }
0x76: {  	_ =	shalt  }
0x77: {  	_ =	shalt  }
0x78: {  	_ =	shalt  }
0x79: {  	_ =	shalt  }
0x7a: {  	_ =	shalt  }
0x7b: {  	_ =	shalt  }
0x7c: {  	_ =	shalt  }
0x7d: {  	_ =	shalt  }
0x7e: {  	_ =	shalt  }
0x7f: {  	_ =	shalt  }
0x80: {  	_ =	shalt  }
0x81: {  	_ =	shalt  }
0x82: {  	_ =	shalt  }
0x83: {  	_ =	shalt  }
0x84: {  	_ =	shalt  }
0x85: {  	_ =	shalt  }
0x86: {  	_ =	shalt  }
0x87: {  	_ =	shalt  }
.Lfunc_end0:
.L_simem_size_0:
called_computation_lowered:
.L_overlay_start_0:
0x88: {  	s2 =	sld [smem:$0x3FD9]  }
0x89: {  	s3 =	sld [smem:$0x3FFE];
	_ =	sdelay $0x1  }
0x8a: {  	s1 =	srdreg.scid  }
0x8b: {  	s0 =	sand.u32 $0x1, s1  }
0x8c: {  	s14 =	sshll.u32 s0, $0xA;
	s2 =	sadd.s32 s3, s2  }
0x8d: {  	s2 =	sadd.s32 s2, s14  }
0x8e: {  	[smem:$0x3FC1] =	sst s2  }
0x8f: {  	_ = 	snop  }
0x90: {  	s2 =	sld [smem:$0x3FD0]  }
0x91: {  	s15 =	sld [smem:$0x3FC7]  }
0x92: {  	s4 =	sld [smem:$0x3FC6]  }
0x93: {  	s6 =	simm.s32 $0xA;
	s7 =	simm.s32 $0x10;
	s5 =	sld [smem:$0x3FC5]  }
0x94: {  	[smem:s7], [sflag:s6] =	dma.local [hbm:s2], $0x1  }
0x95: {  	_ =	swait.eq [sflag:s6], $0x1  }
0x96: {  	[sflag:s6] =	ssyncset.done $0x0  }
0x97: {  	s16 =	sld [smem:$0x10];
	[sflag:s6] =	ssyncadd.s32 $0xFFFFFFFF  }
0x98: {  	s17 =	sld [smem:$0x11];
	(tm) =	ssettm $0x1  }
0x99: {  	s18 =	sld [smem:$0x3FFB];
	_ =	sdelay $0x3  }
0x9a: {  	_ =	strace s18  }
0x9b: {  	s7 =	sld [smem:$0x3FFC];
	_ =	sdelay $0x3  }
0x9c: {  	_ =	strace s7  }
0x9d: {  	s7 =	sld [smem:$0x3FFD];
	_ =	sdelay $0x3  }
0x9e: {  	_ =	strace s7  }
0x9f: {  	_ =	strace $0x8FFFFFFF  }
0xa0: {  	s19 =	sld [smem:$0x3FDB];
	_ =	sdelay $0x1  }
0xa1: {  	s8 =	simm.s32 $_scs_section_size  }
0xa2: {  	s9 =	simm.s32 $_size__tile_overlayer_lowered;
	s10 =	simm.s32 $_tile_overlayer_lowered  }
0xa3: {  	s22 =	simm.s32 $0x1BFF;
	s21 =	sshll.u32 s10, $0x1;
	s7 =	sadd.s32 s8, s19  }
0xa4: {  	s11 =	simm.s32 $0x0;
	s20 =	sshll.u32 s9, $0x1;
	s9 =	sadd.s32 s21, s7  }
0xa5: {  	[timem:s11], [sflag:s22] =	dma.local [hbm:s9], s20  }
0xa6: {  	_ =	swait.ge [sflag:s22], s20  }
0xa7: {  	s8 =	ssub.s32 $0x0, s20;
	[sflag:s22] =	ssyncset.done $0x0  }
0xa8: {  	[sflag:s22] =	ssyncadd.s32 s8;
	_ =	sdelay $0x1  }
0xa9: {  	s23 =	simm.s32 $0x1B8B  }
0xaa: {  	_ =	swait.ge [sflag:s23], $0x1  }
0xab: {  	[sflag:s23] =	ssyncset.done $0x0  }
0xac: {  	s25 =	simm.s32 $0x1B8E;
	s24 =	sld [smem:$0x3FFE];
	[sflag:s23] =	ssyncadd.s32 $0xFFFFFFFF  }
0xad: {  	s26 =	simm.s32 $execute0_lowered;
	[smem:$0x3FD2] =	sst s25  }
0xae: {  	s9 =	sshll.u32 s26, $0x1;
	_ =	strace $0x80000046;
	[dreg:$0x1] =	wrdreg $0xFFFFFFFF  }
0xaf: {  	s28 =	simm.s32 $_size_execute0_lowered;
	s7 =	sadd.s32 s7, s9;
	[dreg:$0x0] =	wrdreg $0x0  }
0xb0: {  	s9 =	sshll.u32 s28, $0x1;
	[dreg:$0x2] =	wrdreg s7  }
0xb1: {  	[dreg:$0x3] =	wrdreg s9  }
0xb2: {  	[dreg:$0x4] =	wrdreg $0xC0  }
0xb3: {  	_ =	task [dreg:s11], $0x5FFFF  }
0xb4: {  	[dreg:$0x1] =	wrdreg $0xFFFFFFFF  }
0xb5: {  	[dreg:$0x0] =	wrdreg $0x60  }
0xb6: {  	[dreg:$0x2] =	wrdreg s24  }
0xb7: {  	[dreg:$0x3] =	wrdreg s5  }
0xb8: {  	[dreg:$0x4] =	wrdreg s15  }
0xb9: {  	[dreg:$0x5] =	wrdreg s4  }
0xba: {  	[dreg:$0x6] =	wrdreg s16  }
0xbb: {  	[dreg:$0x7] =	wrdreg s17  }
0xbc: {  	[dreg:$0x8] =	wrdreg $0x9  }
0xbd: {  	_ =	task.clear_ibuf [dreg:s11], $0x9FFFF;
	_ =	strace $0x90000046  }
0xbe: {  	s29 =	simm.s32 $0x9;
	_ =	strace $0x80000048  }
0xbf: {  	_ =	swait.ge [sflag:s29], $0x1  }
0xc0: {  	[sflag:s29] =	ssyncadd.s32 $0xFFFFFFFF  }
0xc1: {  	_ =	strace $0x90000048  }
0xc2: {  	_ =	sfence  }
0xc3: {  	s30 =	sld [smem:$0x0];
	_ =	sdelay $0x2  }
0xc4: {  	s31 =	sshll.u32 s1, $0xD;
	s1 =	sshrl.u32 s1, $0x2  }
0xc5: {  	s3 =	sand.u32 $0x4000, s31;
	s1 =	sadd.s32 s1, s30  }
0xc6: {  	s0 =	sor.u32 s3, s0;
	s1 =	sshll.u32 s1, $0x11  }
0xc7: {  	s0 =	sor.u32 s1, s0  }
0xc8: {  	s0 =	sadd.s32 $0x8F2B, s0  }
0xc9: {  	[sflag:s0] =	ssyncadd.remote.s32 $0x1  }
0xca: {  	_ =	sfence.sel $0xFFFF  }
0xcb: {  	[dreg:$0x0] =	wrdreg $0xFFFFFFFF;
	(pc) =	sbr.abs _section_cstart, $3  }
0xcc: {  	[dreg:$0x1] =	wrdreg $0xFFFFFFFF  }
0xcd: {  	_ =	task.clear_ibuf [dreg:s11], $0x2FFFF;
	_ =	strace $0x9FFFFFFF  }
0xce: {  	(tm) =	ssettm $0x7FFFFFFF  }
0xcf: {  	_ =	shalt  }
tec
execute0_lowered:
.L_overlay_start_1:
0x0: {  	(tag) =	ssettag $0x1  }
0x1: {  	s0 =	rddreg [dreg:$0x0]  }
0x2: {  	s1 =	rddreg [dreg:$0x1]  }
0x3: {  	s6 =	rddreg [dreg:$0x2]  }
0x4: {  	s7 =	rddreg [dreg:$0x3]  }
0x5: {  	s10 =	rddreg [dreg:$0x4]  }
0x6: {  	s11 =	rddreg [dreg:$0x5];
	s2 =	simm.s32 $0x0;
	s3 =	srdreg.scid  }
0x7: {  	s5 =	stileid.u32;
	s19 =	simm.s32 $0x800;
	s28 =	simm.s32 $0x5D90  }
0x8: {  	s29 =	simm.s32 $0x7690;
	s30 =	simm.s32 $0x1;
	s31 =	simm.s32 $0x8310  }
0x9: {  	[smem:$0x7FF] =	sst s2;
	s4 =	sand.u32 $0x1, s3;
	s23 =	sshll.u32 s5, $0x1  }
0xa: {  	s3 =	sadd.s32 $0x6C00, s0;
	_ =	strace $0x80000047;
	s12 =	sor.u32 s4, s23  }
0xb: {  	s8 =	ssub.s32 $0x2, s4;
	s4 =	sadd.s32 $0x278600, s0;
	s25 =	sshll.u32 s12, $0x5  }
0xc: {  	s24 =	smul.u32 $0x190, s12;
	s9 =	sshrl.u32 s8, $0x1;
	s15 =	sor.u32 $0x10, s25  }
0xd: {  	s13 =	sshll.u32 s12, $0x8;
	s26 =	sshll.u32 s12, $0x2;
	s14 =	ssub.s32 s8, s9;
	v0 =	vmov s25;
	v1 =	vmov s15  }
0xe: {  	s5 =	sadd.s32 s1, s13;
	s6 =	sadd.s32 s6, s13;
	s7 =	sadd.s32 s7, s13;
	v0 =	vmul.u32 $0x4E20, v0;
	v1 =	vmul.u32 $0x4E20, v1  }
0xf: {  	v2 =	vlaneseq.u32;
	s10 =	sadd.s32 s10, s13;
	s11 =	sadd.s32 s11, s26;
	s13 =	simm.s32 $0x2  }
0x10: {  	v2 =	vmul.u32 $0x4E20, v2;
	s25 =	simm.s32 $0x5110;
	s26 =	simm.s32 $0x6A10;
	s1 =	simm.s32 $0x0;
	v0 =	vbroadcast v0, $0x0;
	v1 =	vbroadcast v1, $0x0  }
0x11: {  	s0 =	sadd.s32 s24, s0;
	s12 =	smax.u32 s14, $0x1;
	s24 =	simm.s32 $0xC80  }
0x12: {  	s8 =	sadd.s32 $0x3A00, s0;
	s9 =	sadd.s32 $0x800, s0;
	s0 =	simm.s32 $0x8B10;
	v0 =	vadd.s32 v2, v0;
	v1 =	vadd.s32 v2, v1  }
.LBB2_1:
0x13: {  	[tilespmem:s2], [sflag:$0x2] =	stream.linear.gather [hbm4b:s4+s2], $0x10, $0x38;
	[tilespmem:$0x8B30] =	vst v63  }
0x14: {  	_ =	swait.ge [sflag:s13], $0x10  }
0x15: {  	[sflag:s13] =	ssyncset.done $0x0  }
0x16: {  	s14 =	simm.s32 $0x10;
	[sflag:s13] =	ssyncadd.s32 $0xFFFFFFF0  }
0x17: {  	v2 =	vld [tilespmem:$0x0];
	[tilespmem:s14], [sflag:$0x2] =	stream.linear.gather [hbm4b:s5+s2], $0x800, $0x38  }
0x18: {  	_ =	swait.ge [sflag:s13], $0x800  }
0x19: {  	[sflag:s13] =	ssyncset.done $0x0  }
0x1a: {  	s20 =	simm.s32 $0x810;
	[sflag:s13] =	ssyncadd.s32 $0xFFFFF800  }
0x1b: {  	[tilespmem:s20], [sflag:$0x2] =	stream.linear.gather [hbm4b:s6+s2], $0x800, $0x38;
	[tilespmem:$0x8B30] =	vst v63  }
0x1c: {  	_ =	swait.ge [sflag:s13], $0x800  }
0x1d: {  	[sflag:s13] =	ssyncset.done $0x0  }
0x1e: {  	s21 =	simm.s32 $0x1010;
	[sflag:s13] =	ssyncadd.s32 $0xFFFFF800  }
0x1f: {  	[tilespmem:s21], [sflag:$0x2] =	stream.linear.gather [hbm4b:s7+s2], $0x800, $0x38;
	[tilespmem:$0x8B30] =	vst v63  }
0x20: {  	_ =	swait.ge [sflag:s13], $0x800  }
0x21: {  	[sflag:s13] =	ssyncset.done $0x0  }
0x22: {  	s22 =	simm.s32 $0x3810;
	[sflag:s13] =	ssyncadd.s32 $0xFFFFF800  }
0x23: {  	[tilespmem:s22], [sflag:$0x2] =	stream.linear.gather [hbm4b:s8+s2], $0xC80, $0x38;
	[tilespmem:$0x8B30] =	vst v63  }
0x24: {  	_ =	swait.ge [sflag:s13], $0xC80  }
0x25: {  	[sflag:s13] =	ssyncset.done $0x0  }
0x26: {  	s23 =	simm.s32 $0x4490;
	[sflag:s13] =	ssyncadd.s32 $0xFFFFF380  }
0x27: {  	[tilespmem:s23], [sflag:$0x2] =	stream.linear.gather [hbm4b:s9+s2], $0xC80, $0x38;
	[tilespmem:$0x8B30] =	vst v63  }
0x28: {  	_ =	swait.ge [sflag:s13], $0xC80  }
0x29: {  	[sflag:s13] =	ssyncset.done $0x0  }
0x2a: {  	s15 =	simm.s32 $0x0;
	[sflag:s13] =	ssyncadd.s32 $0xFFFFF380  }
0x2b: {  	v3 =	vld [tilespmem:s15+$0x20]  }
0x2c: {  	v6 =	vld [tilespmem:s15+$0x10]  }
0x2d: {  	v7 =	vld [tilespmem:s15+$0x1020]  }
0x2e: {  	v8 =	vld [tilespmem:s15+$0x810]  }
0x2f: {  	v9 =	vld [tilespmem:s15+$0x1010]  }
0x30: {  	s14 =	simm.s32 $0x20;
	v10 =	vld [tilespmem:s15+$0x820];
	v11 =	vmul.u32 $0x4E20, v3  }
0x31: {  	v5 =	vld [tilespmem:s14+$0x20];
	v6 =	vmul.u32 $0x4E20, v6  }
0x32: {  	v4 =	vld [tilespmem:s14+$0x10];
	v7 =	vadd.s32 v11, v7  }
0x33: {  	v3 =	vld [tilespmem:s14+$0x1020];
	v8 =	vadd.s32 v6, v8;
	[tilespmem:s15+$0x2020] =	vst v7  }
0x34: {  	v7 =	vld [tilespmem:s14+$0x810];
	[tilespmem:s15+$0x1810] =	vst v8;
	v8 =	vadd.s32 v6, v9  }
0x35: {  	s16 =	simm.s32 $0x100;
	v6 =	vld [tilespmem:s14+$0x1010];
	[tilespmem:s15+$0x2010] =	vst v8;
	v8 =	vadd.s32 v11, v10  }
.LBB2_2:
0x36: {  	s17 =	sshra.s32 s16, $0x2;
	p0 =	sne.s32 s16, $0x1F80;
	s16 =	sadd.s32 $0x80, s16;
	v9 =	vmul.u32 $0x4E20, v5;
	v10 =	vld [tilespmem:s14+$0x820];
	[tilespmem:s15+$0x1820] =	vst v8  }
.Ltmp0:
0x37: {  	s15 =	smov.u32 s14;
	v5 =	vld [tilespmem:s17+$0x20];
	v8 =	vmul.u32 $0x4E20, v4;
	s14 =	smov.u32 s17;
	(pc) =	sbr.rel @p0 .LBB2_2-.Ltmp0, $4  }
0x38: {  	v4 =	vld [tilespmem:s14+$0x10];
	v11 =	vadd.s32 v9, v3  }
0x39: {  	v3 =	vld [tilespmem:s14+$0x1020];
	v12 =	vadd.s32 v8, v7;
	[tilespmem:s15+$0x2020] =	vst v11  }
0x3a: {  	v7 =	vld [tilespmem:s14+$0x810];
	[tilespmem:s15+$0x1810] =	vst v12;
	v8 =	vadd.s32 v8, v6  }
0x3b: {  	v6 =	vld [tilespmem:s14+$0x1010];
	[tilespmem:s15+$0x2010] =	vst v8;
	v8 =	vadd.s32 v9, v10  }
0x3c: {  	v5 =	vmul.u32 $0x4E20, v5;
	v9 =	vld [tilespmem:s14+$0x820]  }
0x3d: {  	v4 =	vmul.u32 $0x4E20, v4  }
0x3e: {  	[tilespmem:s15+$0x1820] =	vst v8;
	v3 =	vadd.s32 v5, v3  }
0x3f: {  	v7 =	vadd.s32 v4, v7;
	[tilespmem:s14+$0x2020] =	vst v3  }
0x40: {  	[tilespmem:s14+$0x1810] =	vst v7;
	v3 =	vadd.s32 v4, v6  }
0x41: {  	[tilespmem:s14+$0x2010] =	vst v3;
	v3 =	vadd.s32 v5, v9  }
0x42: {  	s15 =	simm.s32 $0x0;
	[tilespmem:s14+$0x1820] =	vst v3  }
0x43: {  	v4 =	vld [tilespmem:s15+$0x44C0]  }
0x44: {  	v7 =	vld [tilespmem:s15+$0x3810]  }
0x45: {  	v8 =	vld [tilespmem:s15+$0x3820]  }
0x46: {  	v6 =	vld [tilespmem:s15+$0x4490]  }
0x47: {  	v5 =	vld [tilespmem:s15+$0x44A0]  }
0x48: {  	v3 =	vld [tilespmem:s15+$0x3830];
	v9 =	vadd.s32 v1, v4  }
0x49: {  	v4 =	vld [tilespmem:s15+$0x3840];
	v7 =	vadd.s32 v0, v7;
	[tilespmem:s15+$0x5DC0] =	vst v9  }
0x4a: {  	s16 =	simm.s32 $0x200;
	s14 =	simm.s32 $0x40;
	v8 =	vadd.s32 v1, v8;
	[tilespmem:s15+$0x5110] =	vst v7;
	v7 =	vld [tilespmem:s15+$0x44B0]  }
.LBB2_4:
0x4b: {  	p0 =	sne.s32 s16, $0x3100;
	v9 =	vld [tilespmem:s14+$0x44C0];
	[tilespmem:s15+$0x5120] =	vst v8;
	v6 =	vadd.s32 v0, v6  }
0x4c: {  	v8 =	vld [tilespmem:s14+$0x3810];
	[tilespmem:s15+$0x5D90] =	vst v6;
	v5 =	vadd.s32 v1, v5  }
0x4d: {  	v10 =	vld [tilespmem:s14+$0x3820];
	[tilespmem:s15+$0x5DA0] =	vst v5;
	v3 =	vadd.s32 v0, v3  }
.Ltmp1:
0x4e: {  	v6 =	vld [tilespmem:s14+$0x4490];
	[tilespmem:s15+$0x5130] =	vst v3;
	v3 =	vadd.s32 v1, v4;
	(pc) =	sbr.rel @p0 .LBB2_4-.Ltmp1, $4  }
0x4f: {  	v5 =	vld [tilespmem:s14+$0x44A0];
	[tilespmem:s15+$0x5140] =	vst v3;
	v4 =	vadd.s32 v0, v7  }
0x50: {  	v3 =	vld [tilespmem:s14+$0x3830];
	v7 =	vadd.s32 v1, v9;
	[tilespmem:s15+$0x5DB0] =	vst v4;
	s15 =	smov.u32 s14  }
0x51: {  	v8 =	vadd.s32 v0, v8;
	v4 =	vld [tilespmem:s15+$0x3840];
	[tilespmem:s15+$0x5DC0] =	vst v7  }
0x52: {  	s14 =	sshra.s32 s16, $0x2;
	s16 =	sadd.s32 $0x100, s16;
	[tilespmem:s15+$0x5110] =	vst v8;
	v8 =	vadd.s32 v1, v10;
	v7 =	vld [tilespmem:s15+$0x44B0]  }
0x53: {  	v2 =	vsub.f32 $0.0e+00, v2;
	_ =	sdelay $0x1  }
0x54: {  	v2 =	vmul.f32 $1.442695020e+00, v2;
	_ =	sdelay $0x1  }
0x55: {  	(erf) = vpow2.f32 v2  }
0x56: {  	v9 =	vld [tilespmem:s14+$0x44C0];
	[tilespmem:s15+$0x5120] =	vst v8;
	v6 =	vadd.s32 v0, v6  }
0x57: {  	v8 =	vld [tilespmem:s14+$0x3810];
	[tilespmem:s15+$0x5D90] =	vst v6;
	v5 =	vadd.s32 v1, v5  }
0x58: {  	v6 =	vld [tilespmem:s14+$0x3820];
	[tilespmem:s15+$0x5DA0] =	vst v5;
	v3 =	vadd.s32 v0, v3  }
0x59: {  	v5 =	vld [tilespmem:s14+$0x4490];
	[tilespmem:s15+$0x5130] =	vst v3;
	v2 =	vadd.s32 v1, v4  }
0x5a: {  	v3 =	vld [tilespmem:s14+$0x44A0];
	[tilespmem:s15+$0x5140] =	vst v2;
	v2 =	vadd.s32 v0, v7  }
0x5b: {  	v4 =	vld [tilespmem:s14+$0x3830];
	[tilespmem:s15+$0x5DB0] =	vst v2;
	v2 =	vadd.s32 v1, v9  }
0x5c: {  	v8 =	vadd.s32 v0, v8;
	v7 =	vld [tilespmem:s14+$0x3840];
	[tilespmem:s14+$0x5DC0] =	vst v2  }
0x5d: {  	[tilespmem:s14+$0x5110] =	vst v8;
	v2 =	vadd.s32 v1, v6;
	v6 =	vld [tilespmem:s14+$0x44B0]  }
0x5e: {  	[tilespmem:s14+$0x5120] =	vst v2;
	v2 =	vadd.s32 v0, v5;
	v5 =	vpop (erf)  }
0x5f: {  	[tilespmem:s14+$0x5D90] =	vst v2;
	v2 =	vadd.s32 v1, v3;
	v3 =	vadd.f32 $1.000000000e+00, v5  }
0x60: {  	[tilespmem:s14+$0x5DA0] =	vst v2;
	v2 =	vadd.s32 v0, v4  }
0x61: {  	[tilespmem:s14+$0x5130] =	vst v2;
	v2 =	vadd.s32 v1, v7;
	(erf) = vrcp.f32 v3  }
0x62: {  	[tilespmem:s14+$0x5140] =	vst v2;
	v2 =	vadd.s32 v0, v6  }
0x63: {  	s20 =	simm.s32 $0x1810;
	s21 =	simm.s32 $0x2810;
	[tilespmem:s14+$0x5DB0] =	vst v2  }
0x64: {  	[tilespmem:s21], [sflag:$0x1] =	stream.indirect.gather [hbm4b:s3+s19], $0x1, s20, s19, $0xb8;
	[tilespmem:$0x8B30] =	vst v63  }
0x65: {  	s22 =	simm.s32 $0x2010;
	s23 =	simm.s32 $0x3010  }
0x66: {  	[tilespmem:s23], [sflag:$0x1] =	stream.indirect.gather [hbm4b:s3+s19], $0x1, s22, s19, $0xb8;
	[tilespmem:$0x8B30] =	vst v63  }
0x67: {  	_ = 	snop  }
0x68: {  	[tilespmem:s26], [sflag:$0x1] =	stream.indirect.gather [hbm4b:s3+s24], $0x1, s25, s24, $0xb8;
	[tilespmem:$0x8B30] =	vst v63  }
0x69: {  	_ = 	snop  }
0x6a: {  	[tilespmem:s29], [sflag:$0x1] =	stream.indirect.gather [hbm4b:s3+s24], $0x1, s28, s24, $0xb8;
	v2 =	vpop (erf);
	[tilespmem:$0x8B30] =	vst v63  }
0x6b: {  	_ =	swait.ge [sflag:s30], $0x800  }
0x6c: {  	[sflag:s30] =	ssyncset.done $0x0  }
0x6d: {  	[sflag:s30] =	ssyncadd.s32 $0xFFFFF800  }
0x6e: {  	_ =	swait.ge [sflag:s30], $0x800  }
0x6f: {  	[sflag:s30] =	ssyncset.done $0x0  }
0x70: {  	s14 =	simm.s32 $0x0;
	[sflag:s30] =	ssyncadd.s32 $0xFFFFF800  }
0x71: {  	v3 =	vld [tilespmem:s14+$0x2820]  }
0x72: {  	v4 =	vld [tilespmem:s14+$0x3020]  }
0x73: {  	v5 =	vld [tilespmem:s14+$0x2810]  }
0x74: {  	s15 =	simm.s32 $0x20;
	v6 =	vld [tilespmem:s14+$0x3010]  }
0x75: {  	v7 =	vld [tilespmem:s15+$0x2820]  }
0x76: {  	v8 =	vld [tilespmem:s15+$0x2810]  }
0x77: {  	v9 =	vld [tilespmem:s15+$0x3010]  }
0x78: {  	v3 =	vsub.f32 v3, v4;
	v4 =	vld [tilespmem:s15+$0x3020]  }
0x79: {  	v2 =	vmul.f32 $5.000000000e-01, v2  }
0x7a: {  	v5 =	vsub.f32 v5, v6;
	v3 =	vand.u32 $0x7FFFFFFF, v3  }
0x7b: {  	s16 =	simm.s32 $0x40;
	v3 =	vsub.f32 v2, v3  }
0x7c: {  	v6 =	vld [tilespmem:s16+$0x2820];
	v8 =	vsub.f32 v8, v9;
	v5 =	vand.u32 $0x7FFFFFFF, v5  }
0x7d: {  	v5 =	vsub.f32 v2, v5;
	v3 =	vmul.f32 $7.000000000e+01, v3;
	v4 =	vsub.f32 v7, v4;
	v7 =	vld [tilespmem:s16+$0x3020]  }
0x7e: {  	v10 =	vld [tilespmem:s16+$0x3010];
	v8 =	vand.u32 $0x7FFFFFFF, v8  }
0x7f: {  	v9 =	vld [tilespmem:s16+$0x2810];
	v5 =	vmul.f32 $7.000000000e+01, v5;
	v3 =	vsub.f32 $0.0e+00, v3;
	v4 =	vand.u32 $0x7FFFFFFF, v4  }
0x80: {  	v8 =	vsub.f32 v2, v8;
	v4 =	vsub.f32 v2, v4  }
0x81: {  	s17 =	simm.s32 $0x60;
	v5 =	vsub.f32 $0.0e+00, v5;
	v3 =	vmul.f32 $1.442695020e+00, v3  }
0x82: {  	v8 =	vmul.f32 $7.000000000e+01, v8;
	v4 =	vmul.f32 $7.000000000e+01, v4;
	v6 =	vsub.f32 v6, v7;
	v7 =	vld [tilespmem:s17+$0x3020]  }
0x83: {  	v5 =	vmul.f32 $1.442695020e+00, v5;
	(erf) = vpow2.f32 v3;
	v3 =	vld [tilespmem:s17+$0x2820]  }
0x84: {  	v11 =	vld [tilespmem:s17+$0x2810];
	v9 =	vsub.f32 v9, v10;
	v4 =	vsub.f32 $0.0e+00, v4;
	v6 =	vand.u32 $0x7FFFFFFF, v6  }
0x85: {  	(erf) = vpow2.f32 v5;
	v5 =	vld [tilespmem:s17+$0x3010];
	v6 =	vsub.f32 v2, v6  }
0x86: {  	s18 =	simm.s32 $0x80;
	v8 =	vsub.f32 $0.0e+00, v8;
	v9 =	vand.u32 $0x7FFFFFFF, v9;
	v4 =	vmul.f32 $1.442695020e+00, v4  }
0x87: {  	v10 =	vld [tilespmem:s18+$0x2810];
	v9 =	vsub.f32 v2, v9;
	v6 =	vmul.f32 $7.000000000e+01, v6  }
0x88: {  	(erf) = vpow2.f32 v4;
	v4 =	vld [tilespmem:s18+$0x2820];
	v3 =	vsub.f32 v3, v7;
	v7 =	vmul.f32 $1.442695020e+00, v8  }
0x89: {  	v9 =	vmul.f32 $7.000000000e+01, v9;
	v8 =	vld [tilespmem:s18+$0x3020]  }
0x8a: {  	v6 =	vsub.f32 $0.0e+00, v6;
	v5 =	vsub.f32 v11, v5;
	v11 =	vld [tilespmem:s18+$0x3010];
	v3 =	vand.u32 $0x7FFFFFFF, v3  }
0x8b: {  	(erf) = vpow2.f32 v7;
	v3 =	vsub.f32 v2, v3  }
0x8c: {  	v9 =	vsub.f32 $0.0e+00, v9;
	v6 =	vmul.f32 $1.442695020e+00, v6;
	v5 =	vand.u32 $0x7FFFFFFF, v5;
	v7 =	vpop (erf)  }
0x8d: {  	v5 =	vsub.f32 v2, v5;
	v7 =	vadd.f32 $1.000000000e+00, v7;
	v3 =	vmul.f32 $7.000000000e+01, v3  }
0x8e: {  	(erf) = vpow2.f32 v6;
	v4 =	vsub.f32 v4, v8;
	v8 =	vmul.f32 $1.442695020e+00, v9  }
0x8f: {  	s20 =	simm.s32 $0xA0;
	v10 =	vsub.f32 v10, v11  }
0x90: {  	v12 =	vld [tilespmem:s20+$0x2820];
	v5 =	vmul.f32 $7.000000000e+01, v5;
	v6 =	vpop (erf);
	(erf) = vrcp.f32 v7;
	v3 =	vsub.f32 $0.0e+00, v3  }
0x91: {  	v7 =	vld [tilespmem:s20+$0x3020];
	v4 =	vand.u32 $0x7FFFFFFF, v4;
	v6 =	vadd.f32 $1.000000000e+00, v6;
	v10 =	vand.u32 $0x7FFFFFFF, v10  }
0x92: {  	v9 =	vld [tilespmem:s20+$0x2810];
	(erf) = vpow2.f32 v8;
	v5 =	vsub.f32 $0.0e+00, v5;
	v8 =	vpop (erf);
	v3 =	vmul.f32 $1.442695020e+00, v3  }
0x93: {  	v11 =	vld [tilespmem:s20+$0x3010];
	v4 =	vsub.f32 v2, v4;
	v8 =	vadd.f32 $1.000000000e+00, v8;
	(erf) = vrcp.f32 v6  }
0x94: {  	v6 =	vsub.f32 v2, v10;
	v61 =	vmul.f32 $1.442695020e+00, v5;
	(erf) = vpow2.f32 v3;
	v10 =	vpop (erf)  }
0x95: {  	s21 =	simm.s32 $0xC0;
	v4 =	vmul.f32 $7.000000000e+01, v4;
	(erf) = vrcp.f32 v8;
	v15 =	vadd.f32 $1.000000000e+00, v10  }
0x96: {  	v5 =	vld [tilespmem:s21+$0x3020];
	v7 =	vsub.f32 v12, v7;
	(erf) = vpow2.f32 v61  }
0x97: {  	v3 =	vld [tilespmem:s21+$0x2820];
	v14 =	vsub.f32 $0.0e+00, v4;
	v62 =	vpop (erf);
	(erf) = vrcp.f32 v15  }
0x98: {  	v13 =	vmul.f32 $7.000000000e+01, v6;
	v4 =	vld [tilespmem:s21+$0x2810];
	v10 =	vsub.f32 v9, v11;
	v7 =	vand.u32 $0x7FFFFFFF, v7  }
0x99: {  	v6 =	vld [tilespmem:s21+$0x3010];
	v9 =	vmul.f32 $1.442695020e+00, v14;
	v8 =	vsub.f32 v2, v7;
	v63 =	vpop (erf)  }
0x9a: {  	s22 =	simm.s32 $0x380;
	v11 =	vand.u32 $0x7FFFFFFF, v10;
	v7 =	vsub.f32 $0.0e+00, v13;
	v10 =	vadd.f32 $1.000000000e+00, v62;
	[tilespmem:s14+$0x8320] =	vst v63  }
.LBB2_6:
0x9b: {  	s23 =	sshra.s32 s22, $0x2;
	v11 =	vsub.f32 v2, v11;
	v14 =	vmul.f32 $7.000000000e+01, v8;
	(erf) = vpow2.f32 v9;
	v9 =	vpop (erf);
	p0 =	sne.s32 s22, $0x1F80  }
.Ltmp2:
0x9c: {  	v7 =	vmul.f32 $1.442695020e+00, v7;
	v16 =	vsub.f32 v3, v5;
	v3 =	vld [tilespmem:s23+$0x2820];
	(erf) = vrcp.f32 v10;
	(pc) =	sbr.rel @p0 .LBB2_6-.Ltmp2, $4  }
0x9d: {  	s22 =	sadd.s32 $0x80, s22;
	v13 =	vadd.f32 $1.000000000e+00, v9;
	v5 =	vld [tilespmem:s23+$0x3020];
	v10 =	vmul.f32 $7.000000000e+01, v11;
	v11 =	vsub.f32 $0.0e+00, v14;
	v8 =	vpop (erf)  }
0x9e: {  	v14 =	vsub.f32 v4, v6;
	v4 =	vld [tilespmem:s23+$0x2810];
	v9 =	vand.u32 $0x7FFFFFFF, v16;
	(erf) = vpow2.f32 v7;
	v12 =	vpop (erf);
	[tilespmem:s14+$0x8310] =	vst v8;
	s14 =	smov.u32 s15;
	s15 =	smov.u32 s16;
	s16 =	smov.u32 s17  }
0x9f: {  	s17 =	smov.u32 s18;
	s18 =	smov.u32 s20;
	s20 =	smov.u32 s21;
	v6 =	vld [tilespmem:s23+$0x3010];
	v8 =	vsub.f32 v2, v9;
	v7 =	vsub.f32 $0.0e+00, v10;
	v9 =	vmul.f32 $1.442695020e+00, v11;
	v15 =	vpop (erf)  }
0xa0: {  	s21 =	smov.u32 s23;
	v10 =	vadd.f32 $1.000000000e+00, v12;
	v11 =	vand.u32 $0x7FFFFFFF, v14;
	(erf) = vrcp.f32 v13;
	[tilespmem:s14+$0x8320] =	vst v15  }
0xa1: {  	v11 =	vsub.f32 v2, v11  }
0xa2: {  	v8 =	vmul.f32 $7.000000000e+01, v8;
	v3 =	vsub.f32 v3, v5;
	v5 =	vmul.f32 $1.442695020e+00, v7  }
0xa3: {  	(erf) = vpow2.f32 v9  }
0xa4: {  	v9 =	vpop (erf);
	(erf) = vrcp.f32 v10;
	v7 =	vmul.f32 $7.000000000e+01, v11;
	v8 =	vsub.f32 $0.0e+00, v8  }
0xa5: {  	v4 =	vsub.f32 v4, v6;
	v3 =	vand.u32 $0x7FFFFFFF, v3;
	v6 =	vadd.f32 $1.000000000e+00, v9  }
0xa6: {  	(erf) = vpow2.f32 v5;
	v3 =	vsub.f32 v2, v3;
	v8 =	vmul.f32 $1.442695020e+00, v8;
	v5 =	vpop (erf)  }
0xa7: {  	v7 =	vsub.f32 $0.0e+00, v7;
	v4 =	vand.u32 $0x7FFFFFFF, v4;
	v9 =	vpop (erf)  }
0xa8: {  	v4 =	vsub.f32 v2, v4;
	v3 =	vmul.f32 $7.000000000e+01, v3;
	v9 =	vadd.f32 $1.000000000e+00, v9  }
0xa9: {  	(erf) = vrcp.f32 v6;
	v7 =	vmul.f32 $1.442695020e+00, v7;
	v6 =	vpop (erf)  }
0xaa: {  	(erf) = vpow2.f32 v8;
	v8 =	vpop (erf);
	v4 =	vmul.f32 $7.000000000e+01, v4;
	v3 =	vsub.f32 $0.0e+00, v3  }
0xab: {  	(erf) = vrcp.f32 v9;
	v8 =	vadd.f32 $1.000000000e+00, v8  }
0xac: {  	(erf) = vpow2.f32 v7;
	v4 =	vsub.f32 $0.0e+00, v4;
	v3 =	vmul.f32 $1.442695020e+00, v3;
	v9 =	vpop (erf)  }
0xad: {  	(erf) = vrcp.f32 v8;
	v7 =	vpop (erf)  }
0xae: {  	(erf) = vpow2.f32 v3;
	v3 =	vmul.f32 $1.442695020e+00, v4;
	v7 =	vadd.f32 $1.000000000e+00, v7;
	_ =	sdelay $0x1  }
0xaf: {  	(erf) = vrcp.f32 v7  }
0xb0: {  	v4 =	vpop (erf);
	(erf) = vpow2.f32 v3  }
0xb1: {  	v3 =	vpop (erf)  }
0xb2: {  	v7 =	vpop (erf)  }
0xb3: {  	v8 =	vpop (erf)  }
0xb4: {  	v10 =	vpop (erf)  }
0xb5: {  	v11 =	vpop (erf)  }
0xb6: {  	v3 =	vadd.f32 $1.000000000e+00, v3;
	v12 =	vpop (erf)  }
0xb7: {  	v8 =	vadd.f32 $1.000000000e+00, v8;
	v13 =	vpop (erf)  }
0xb8: {  	(erf) = vrcp.f32 v3;
	v3 =	vadd.f32 $1.000000000e+00, v11;
	v11 =	vpop (erf)  }
0xb9: {  	(erf) = vrcp.f32 v8;
	v8 =	vadd.f32 $1.000000000e+00, v13;
	v13 =	vpop (erf)  }
0xba: {  	[tilespmem:s14+$0x8310] =	vst v5;
	(erf) = vrcp.f32 v3;
	v3 =	vadd.f32 $1.000000000e+00, v13  }
0xbb: {  	[tilespmem:s15+$0x8320] =	vst v6;
	(erf) = vrcp.f32 v8  }
0xbc: {  	[tilespmem:s15+$0x8310] =	vst v9;
	(erf) = vrcp.f32 v3  }
0xbd: {  	[tilespmem:s16+$0x8320] =	vst v4  }
0xbe: {  	[tilespmem:s16+$0x8310] =	vst v7  }
0xbf: {  	[tilespmem:s17+$0x8320] =	vst v10  }
0xc0: {  	[tilespmem:s17+$0x8310] =	vst v12  }
0xc1: {  	[tilespmem:s18+$0x8320] =	vst v11;
	v3 =	vpop (erf)  }
0xc2: {  	[tilespmem:s18+$0x8310] =	vst v3;
	v3 =	vpop (erf)  }
0xc3: {  	[tilespmem:s20+$0x8320] =	vst v3;
	v3 =	vpop (erf)  }
0xc4: {  	[tilespmem:s20+$0x8310] =	vst v3;
	v3 =	vpop (erf)  }
0xc5: {  	[tilespmem:s21+$0x8320] =	vst v3;
	v3 =	vpop (erf)  }
0xc6: {  	s20 =	simm.s32 $0x0;
	[tilespmem:s21+$0x8310] =	vst v3  }
0xc7: {  	[hbm4b:s10+s20] =	stream.linear.scatter [tilespmem:s31], [sflag:$0x2], $0x800, $0x38;
	[tilespmem:$0x8B30] =	vst v63  }
0xc8: {  	_ =	swait.ge [sflag:s13], $0x800  }
0xc9: {  	[sflag:s13] =	ssyncset.done $0x0  }
0xca: {  	[sflag:s13] =	ssyncadd.s32 $0xFFFFF800  }
0xcb: {  	_ =	swait.ge [sflag:s30], $0xC80  }
0xcc: {  	[sflag:s30] =	ssyncset.done $0x0  }
0xcd: {  	[sflag:s30] =	ssyncadd.s32 $0xFFFFF380  }
0xce: {  	_ =	swait.ge [sflag:s30], $0xC80  }
0xcf: {  	[sflag:s30] =	ssyncset.done $0x0  }
0xd0: {  	s21 =	simm.s32 $0x0;
	[sflag:s30] =	ssyncadd.s32 $0xFFFFF380  }
0xd1: {  	v3 =	vld [tilespmem:s21+$0x6A30]  }
0xd2: {  	v4 =	vld [tilespmem:s21+$0x76B0]  }
0xd3: {  	v5 =	vld [tilespmem:s21+$0x6A10]  }
0xd4: {  	v6 =	vld [tilespmem:s21+$0x7690]  }
0xd5: {  	v7 =	vld [tilespmem:s21+$0x6A20]  }
0xd6: {  	v8 =	vld [tilespmem:s21+$0x76A0]  }
0xd7: {  	v9 =	vld [tilespmem:s21+$0x6A40]  }
0xd8: {  	v10 =	vld [tilespmem:s21+$0x76C0];
	_ =	sdelay $0x2  }
0xd9: {  	s22 =	simm.s32 $0x40;
	v5 =	vsub.f32 v5, v6  }
0xda: {  	v6 =	vsub.f32 v7, v8;
	v8 =	vld [tilespmem:s22+$0x7690]  }
0xdb: {  	v3 =	vsub.f32 v3, v4;
	v7 =	vsub.f32 v9, v10;
	v9 =	vld [tilespmem:s22+$0x6A20];
	v4 =	vand.u32 $0x7FFFFFFF, v5  }
0xdc: {  	v5 =	vld [tilespmem:s22+$0x6A10];
	v6 =	vand.u32 $0x7FFFFFFF, v6;
	v4 =	vsub.f32 v2, v4  }
0xdd: {  	v10 =	vld [tilespmem:s22+$0x76A0];
	v3 =	vand.u32 $0x7FFFFFFF, v3;
	v6 =	vsub.f32 v2, v6  }
0xde: {  	v7 =	vand.u32 $0x7FFFFFFF, v7;
	v3 =	vsub.f32 v2, v3;
	v4 =	vmul.f32 $7.000000000e+01, v4  }
0xdf: {  	v7 =	vsub.f32 v2, v7;
	v6 =	vmul.f32 $7.000000000e+01, v6  }
0xe0: {  	v3 =	vmul.f32 $7.000000000e+01, v3;
	v4 =	vsub.f32 $0.0e+00, v4  }
0xe1: {  	v11 =	vld [tilespmem:s22+$0x6A30];
	v7 =	vmul.f32 $7.000000000e+01, v7;
	v6 =	vsub.f32 $0.0e+00, v6;
	v5 =	vsub.f32 v5, v8  }
0xe2: {  	v12 =	vld [tilespmem:s22+$0x76B0];
	v9 =	vsub.f32 v9, v10;
	v3 =	vsub.f32 $0.0e+00, v3;
	v4 =	vmul.f32 $1.442695020e+00, v4  }
0xe3: {  	v8 =	vld [tilespmem:s22+$0x6A40];
	v7 =	vsub.f32 $0.0e+00, v7;
	v6 =	vmul.f32 $1.442695020e+00, v6;
	v5 =	vand.u32 $0x7FFFFFFF, v5  }
0xe4: {  	s23 =	simm.s32 $0x80;
	v3 =	vmul.f32 $1.442695020e+00, v3;
	v5 =	vsub.f32 v2, v5;
	(erf) = vpow2.f32 v4;
	v4 =	vld [tilespmem:s22+$0x76C0]  }
0xe5: {  	v13 =	vld [tilespmem:s23+$0x6A10];
	v7 =	vmul.f32 $1.442695020e+00, v7;
	(erf) = vpow2.f32 v6  }
0xe6: {  	v10 =	vld [tilespmem:s23+$0x76B0];
	v9 =	vand.u32 $0x7FFFFFFF, v9;
	v5 =	vmul.f32 $7.000000000e+01, v5;
	(erf) = vpow2.f32 v3  }
0xe7: {  	v6 =	vld [tilespmem:s23+$0x6A30];
	v3 =	vsub.f32 v2, v9;
	(erf) = vpow2.f32 v7;
	v7 =	vsub.f32 v11, v12  }
0xe8: {  	v9 =	vld [tilespmem:s23+$0x7690];
	v11 =	vsub.f32 $0.0e+00, v5  }
0xe9: {  	v4 =	vsub.f32 v8, v4;
	v8 =	vmul.f32 $7.000000000e+01, v3;
	v7 =	vand.u32 $0x7FFFFFFF, v7  }
0xea: {  	v7 =	vsub.f32 v2, v7  }
0xeb: {  	v14 =	vmul.f32 $1.442695020e+00, v11;
	v4 =	vand.u32 $0x7FFFFFFF, v4;
	v12 =	vsub.f32 $0.0e+00, v8  }
0xec: {  	v3 =	vimm.f32 $0.0e+00;
	v5 =	vsub.f32 v6, v10;
	v10 =	vld [tilespmem:s23+$0x76A0];
	v4 =	vsub.f32 v2, v4  }
0xed: {  	v6 =	vsub.f32 v13, v9;
	v8 =	vld [tilespmem:s23+$0x6A20];
	v16 =	vmul.f32 $7.000000000e+01, v7;
	v15 =	vpop (erf);
	v9 =	vmul.f32 $1.442695020e+00, v12  }
0xee: {  	(erf) = vpow2.f32 v14;
	v7 =	vpop (erf);
	v11 =	vmul.f32 $7.000000000e+01, v4;
	v4 =	vadd.f32 $1.000000000e+00, v15  }
0xef: {  	v13 =	vsub.f32 $0.0e+00, v16;
	v12 =	vadd.f32 $1.000000000e+00, v7;
	v7 =	vld [tilespmem:s23+$0x6A40];
	(erf) = vpow2.f32 v9;
	v14 =	vpop (erf)  }
0xf0: {  	s14 =	simm.s32 $0x300;
	v9 =	vld [tilespmem:s23+$0x76C0];
	v14 =	vadd.f32 $1.000000000e+00, v14;
	(erf) = vrcp.f32 v4;
	v15 =	vpop (erf);
	v4 =	vimm.f32 $0.0e+00  }
.LBB2_8:
0xf1: {  	s15 =	sshra.s32 s14, $0x2;
	p0 =	sne.s32 s14, $0x3100;
	v11 =	vsub.f32 $0.0e+00, v11;
	v15 =	vadd.f32 $1.000000000e+00, v15;
	(erf) = vrcp.f32 v12  }
0xf2: {  	v12 =	vld [tilespmem:s15+$0x6A30];
	v8 =	vsub.f32 v8, v10;
	v10 =	vmul.f32 $1.442695020e+00, v13;
	(erf) = vrcp.f32 v14  }
0xf3: {  	v6 =	vand.u32 $0x7FFFFFFF, v6;
	v13 =	vld [tilespmem:s15+$0x76B0];
	v11 =	vmul.f32 $1.442695020e+00, v11;
	(erf) = vrcp.f32 v15  }
0xf4: {  	v6 =	vsub.f32 v2, v6;
	v14 =	vld [tilespmem:s15+$0x6A10];
	v8 =	vand.u32 $0x7FFFFFFF, v8;
	(erf) = vpow2.f32 v10  }
0xf5: {  	v10 =	vld [tilespmem:s15+$0x7690];
	v15 =	vsub.f32 v7, v9;
	v8 =	vsub.f32 v2, v8;
	(erf) = vpow2.f32 v11  }
0xf6: {  	v5 =	vand.u32 $0x7FFFFFFF, v5;
	v6 =	vmul.f32 $7.000000000e+01, v6  }
0xf7: {  	v17 =	vsub.f32 v2, v5;
	v8 =	vmul.f32 $7.000000000e+01, v8;
	v5 =	vand.u32 $0x7FFFFFFF, v15;
	v7 =	vpop (erf)  }
0xf8: {  	v11 =	vsub.f32 $0.0e+00, v6;
	v18 =	vsub.f32 v2, v5;
	v16 =	vpop (erf)  }
0xf9: {  	v5 =	vsub.f32 v12, v13;
	v13 =	vmul.f32 $7.000000000e+01, v17;
	v12 =	vsub.f32 $0.0e+00, v8;
	v9 =	vpop (erf)  }
.Ltmp3:
0xfa: {  	v19 =	vmul.f32 $1.442695020e+00, v11;
	v6 =	vsub.f32 v14, v10;
	v8 =	vld [tilespmem:s15+$0x6A20];
	v11 =	vmul.f32 $7.000000000e+01, v18;
	v15 =	vpop (erf);
	(pc) =	sbr.rel @p0 .LBB2_8-.Ltmp3, $4  }
0xfb: {  	v3 =	vadd.f32 v9, v3;
	v10 =	vld [tilespmem:s15+$0x76A0];
	v17 =	vmul.f32 $1.442695020e+00, v12;
	v4 =	vadd.f32 v15, v4;
	v9 =	vpop (erf)  }
0xfc: {  	v18 =	vadd.f32 $1.000000000e+00, v7;
	v12 =	vadd.f32 $1.000000000e+00, v16;
	(erf) = vpow2.f32 v19;
	v14 =	vpop (erf)  }
0xfd: {  	v3 =	vadd.f32 v9, v3;
	v7 =	vld [tilespmem:s15+$0x6A40];
	(erf) = vpow2.f32 v17;
	v16 =	vpop (erf);
	v4 =	vadd.f32 v14, v4  }
0xfe: {  	s14 =	sadd.s32 $0x100, s14;
	v13 =	vsub.f32 $0.0e+00, v13;
	v9 =	vld [tilespmem:s15+$0x76C0];
	v14 =	vadd.f32 $1.000000000e+00, v16;
	(erf) = vrcp.f32 v18;
	v15 =	vpop (erf)  }
0xff: {  	v11 =	vsub.f32 $0.0e+00, v11;
	v15 =	vadd.f32 $1.000000000e+00, v15;
	(erf) = vrcp.f32 v12  }
0x100: {  	v8 =	vsub.f32 v8, v10;
	v45 =	vmul.f32 $1.442695020e+00, v13;
	(erf) = vrcp.f32 v14  }
0x101: {  	v6 =	vand.u32 $0x7FFFFFFF, v6;
	v11 =	vmul.f32 $1.442695020e+00, v11;
	(erf) = vrcp.f32 v15  }
0x102: {  	v6 =	vsub.f32 v2, v6;
	v8 =	vand.u32 $0x7FFFFFFF, v8;
	(erf) = vpow2.f32 v45  }
0x103: {  	v8 =	vsub.f32 v2, v8;
	(erf) = vpow2.f32 v11  }
0x104: {  	v6 =	vmul.f32 $7.000000000e+01, v6  }
0x105: {  	v8 =	vmul.f32 $7.000000000e+01, v8;
	v46 =	vpop (erf)  }
0x106: {  	v7 =	vsub.f32 v7, v9;
	v6 =	vsub.f32 $0.0e+00, v6;
	v47 =	vpop (erf)  }
0x107: {  	v5 =	vand.u32 $0x7FFFFFFF, v5;
	v8 =	vsub.f32 $0.0e+00, v8;
	v48 =	vpop (erf)  }
0x108: {  	v5 =	vsub.f32 v2, v5;
	v7 =	vand.u32 $0x7FFFFFFF, v7;
	v6 =	vmul.f32 $1.442695020e+00, v6;
	v12 =	vpop (erf)  }
0x109: {  	v2 =	vsub.f32 v2, v7;
	v49 =	vmul.f32 $1.442695020e+00, v8;
	v50 =	vpop (erf)  }
0x10a: {  	v5 =	vmul.f32 $7.000000000e+01, v5;
	v51 =	vadd.f32 $1.000000000e+00, v46;
	(erf) = vpow2.f32 v6;
	v52 =	vpop (erf)  }
0x10b: {  	v9 =	vadd.f32 $1.000000000e+00, v47;
	v2 =	vmul.f32 $7.000000000e+01, v2;
	(erf) = vpow2.f32 v49;
	v53 =	vpop (erf)  }
0x10c: {  	v5 =	vsub.f32 $0.0e+00, v5;
	v7 =	vadd.f32 $1.000000000e+00, v53;
	(erf) = vrcp.f32 v51;
	v54 =	vpop (erf)  }
0x10d: {  	v2 =	vsub.f32 $0.0e+00, v2;
	v6 =	vadd.f32 $1.000000000e+00, v54;
	(erf) = vrcp.f32 v9  }
0x10e: {  	v5 =	vmul.f32 $1.442695020e+00, v5;
	(erf) = vrcp.f32 v7  }
0x10f: {  	v2 =	vmul.f32 $1.442695020e+00, v2;
	(erf) = vrcp.f32 v6  }
0x110: {  	(erf) = vpow2.f32 v5  }
0x111: {  	(erf) = vpow2.f32 v2;
	_ =	sdelay $0x1  }
0x112: {  	v2 =	vpop (erf)  }
0x113: {  	v55 =	vpop (erf)  }
0x114: {  	v56 =	vpop (erf)  }
0x115: {  	v2 =	vadd.f32 $1.000000000e+00, v2;
	v57 =	vpop (erf)  }
0x116: {  	v58 =	vpop (erf)  }
0x117: {  	v59 =	vpop (erf)  }
0x118: {  	v5 =	vadd.f32 $1.000000000e+00, v55;
	v60 =	vpop (erf)  }
0x119: {  	(erf) = vrcp.f32 v2;
	v14 =	vadd.f32 $1.000000000e+00, v60;
	v2 =	vpop (erf)  }
0x11a: {  	(erf) = vrcp.f32 v5;
	v2 =	vadd.f32 $1.000000000e+00, v2  }
0x11b: {  	v3 =	vadd.f32 v48, v3;
	(erf) = vrcp.f32 v14  }
0x11c: {  	v4 =	vadd.f32 v12, v4;
	(erf) = vrcp.f32 v2  }
0x11d: {  	v2 =	vadd.f32 v50, v3  }
0x11e: {  	v3 =	vadd.f32 v52, v4  }
0x11f: {  	v2 =	vadd.f32 v56, v2  }
0x120: {  	v3 =	vadd.f32 v57, v3  }
0x121: {  	v2 =	vadd.f32 v58, v2  }
0x122: {  	v61 =	vpop (erf);
	v3 =	vadd.f32 v59, v3  }
0x123: {  	v5 =	vpop (erf);
	v2 =	vadd.f32 v61, v2  }
0x124: {  	v3 =	vadd.f32 v5, v3;
	v62 =	vpop (erf)  }
0x125: {  	v63 =	vpop (erf);
	v2 =	vadd.f32 v62, v2  }
0x126: {  	v3 =	vadd.f32 v63, v3  }
0x127: {  	v2 =	vmul.f32 $9.999999770e-03, v2  }
0x128: {  	v3 =	vmul.f32 $9.999999770e-03, v3  }
0x129: {  	v2 =	vsub.f32 $1.000000000e+00, v2  }
0x12a: {  	s1 =	sadd.s32 $0x1, s1;
	v3 =	vsub.f32 $1.000000000e+00, v3  }
0x12b: {  	p0 =	sne.s32 s1, s12;
	[tilespmem:$0x8B10] =	vst v2  }
.Ltmp4:
0x12c: {  	[tilespmem:$0x8B20] =	vst v3;
	(pc) =	sbr.rel @p0 .LBB2_1-.Ltmp4, $4  }
0x12d: {  	[hbm4b:s11+s2] =	stream.linear.scatter [tilespmem:s0], [sflag:$0x2], $0x20, $0x38;
	[tilespmem:$0x8B30] =	vst v63  }
0x12e: {  	_ =	swait.ge [sflag:s13], $0x20  }
0x12f: {  	[sflag:s13] =	ssyncset.done $0x0  }
0x130: {  	[sflag:s13] =	ssyncadd.s32 $0xFFFFFFE0  }
0x131: {  	_ =	sfence.sel $0x180000  }
0x132: {  	[bflag:$0x0] =	sbarrier.arrive $0xFFFF  }
0x133: {  	_ =	strace $0x90000047  }
0x134: {  	s0 =	stileid.u32;
	[bflag:$0x2] =	sbarrier.arrive $0xFFFF  }
0x135: {  	p0 =	sne.s32 s0, $0x0;
	s0 =	rddreg [dreg:$0x6]  }
0x136: {  	s0 =	sadd.s32 @!p0 $0x100000, s0  }
0x137: {  	[sflag:s0] =	ssyncadd.tile.s32 @!p0 $0x1;
	_ =	shalt  }
.Lfunc_end2:
_tile_overlayer_lowered:
.L_overlay_start_2:
0x138: {  	(tag) =	ssettag $0x2  }
0x139: {  	s0 =	rddreg [dreg:$0x0];
	s2 =	stileid.u32  }
0x13a: {  	s1 =	rddreg [dreg:$0x1];
	p0 =	sne.s32 s2, $0x0  }
0x13b: {  	s3 =	rddreg [dreg:$0x2];
	[bflag:$0x3] =	sbarrier.arrive $0xFFFF;
	s2 =	simm.s32 @!p0 $0x1C02  }
0x13c: {  	[timem:s3], [sflag:s2] =	dma.local @!p0 [hbm:s0], s1  }
0x13d: {  	s0 =	simm.s32 @!p0 $0x2  }
0x13e: {  	_ =	swait.ge @!p0 [sflag:s0], s1  }
0x13f: {  	s1 =	ssub.s32 @!p0 $0x0, s1;
	[sflag:s0] =	ssyncset.done @!p0 $0x0  }
0x140: {  	[sflag:s0] =	ssyncadd.s32 @!p0 s1  }
0x141: {  	[bflag:$0x3] =	sbarrier.arrive $0xFFFF  }
0x142: {  	_ =	shalt  }

</sc_bundles>
